<compile_context>
chip_gen: v7x
topology: tpu7x:2x2x1
jax: 0.10.2.dev20260603
libtpu: 0.0.44.dev20260713+nightly
codegen_flags: <defaults>
</compile_context>

<pallas_src>
import functools

import jax
import jax.numpy as jnp
from jax import lax
from jax.experimental import pallas as pl
from jax.experimental.pallas import tpu as pltpu
from jax.experimental.pallas import tpu_sc as plsc

NC = 2
NS = 16
NW = NC * NS
CHW = 128
CA = 80
PAD_N = 16


def _sc_mesh():
    return plsc.VectorSubcoreMesh(core_axis_name="c", subcore_axis_name="s",
                                  num_cores=NC, num_subcores=NS)


def _row_split(N):
    rpt = (N // NS) // 8 * 8
    tail = N - NS * rpt
    return rpt, tail


def _copy_rows(copy_one, s, N):
    rpt, tail = _row_split(N)
    copy_one(s * rpt, rpt)
    if tail:
        @pl.when(s == NS - 1)
        def _():
            copy_one(NS * rpt, tail)


def _fill_chunk(dst_small, src_big, base, n, clamp=None):
    for k in range(n // 16):
        v = src_big[pl.ds(base + k * 16, 16)]
        if clamp is not None:
            v = jnp.minimum(v, clamp)
        dst_small[pl.ds(k * 16, 16)] = v


def _make_deg_kernel(rpe, N):
    Np = N + PAD_N
    ept = rpe * CHW
    rpt, _ = _row_split(N)

    @functools.partial(
        pl.kernel,
        out_type=[
            jax.ShapeDtypeStruct((N,), jnp.float32),
            jax.ShapeDtypeStruct((N,), jnp.float32),
            jax.ShapeDtypeStruct((N,), jnp.float32),
            jax.ShapeDtypeStruct((N,), jnp.float32),
        ],
        mesh=_sc_mesh(),
        scratch_types=[
            pltpu.VMEM((ept,), jnp.int32),
            pltpu.VMEM((ept,), jnp.int32),
            pltpu.VMEM((CHW,), jnp.int32),
            pltpu.VMEM((CHW,), jnp.int32),
            pltpu.VMEM((CHW,), jnp.float32),
            pltpu.VMEM((rpt,), jnp.float32),
            pltpu.VMEM_SHARED((Np,), jnp.float32),
            pltpu.VMEM_SHARED((Np,), jnp.float32),
        ],
    )
    def deg_kernel(src_hbm, dst_hbm,
                   degs0_out, degs1_out, degd0_out, degd1_out,
                   sidxb, didxb, six, dix, ones_v, stage, degs_sh, degd_sh):
        c = lax.axis_index("c")
        s = lax.axis_index("s")
        wid = s * NC + c

        pltpu.sync_copy(src_hbm.at[pl.ds(wid * ept, ept)], sidxb)
        pltpu.sync_copy(dst_hbm.at[pl.ds(wid * ept, ept)], didxb)
        for i in range(CHW // 16):
            ones_v[pl.ds(i * 16, 16)] = jnp.full((16,), 1.0, jnp.float32)
        for i in range(rpt // 16):
            stage[pl.ds(i * 16, 16)] = jnp.full((16,), 0.0, jnp.float32)

        def zero_rows(b, r):
            pltpu.sync_copy(stage.at[pl.ds(0, r)], degs_sh.at[pl.ds(b, r)])
            pltpu.sync_copy(stage.at[pl.ds(0, r)], degd_sh.at[pl.ds(b, r)])

        _copy_rows(zero_rows, s, N)

        @pl.when(s == 0)
        def _():
            zero_rows(N, PAD_N)

        plsc.subcore_barrier()

        def step(j, carry):
            _fill_chunk(six, sidxb, j * CHW, CHW)
            _fill_chunk(dix, didxb, j * CHW, CHW)
            pltpu.sync_copy(ones_v, degs_sh.at[six], add=True)
            pltpu.sync_copy(ones_v, degd_sh.at[dix], add=True)
            return carry

        lax.fori_loop(0, rpe, step, 0)
        plsc.subcore_barrier()

        def copy_via_stage(tab_sh, out_hbm, b, r):
            pltpu.sync_copy(tab_sh.at[pl.ds(b, r)], stage.at[pl.ds(0, r)])
            pltpu.sync_copy(stage.at[pl.ds(0, r)], out_hbm.at[pl.ds(b, r)])

        def out_rows(b, r):
            @pl.when(c == 0)
            def _():
                copy_via_stage(degs_sh, degs0_out, b, r)
                copy_via_stage(degd_sh, degd0_out, b, r)

            @pl.when(c == 1)
            def _():
                copy_via_stage(degs_sh, degs1_out, b, r)
                copy_via_stage(degd_sh, degd1_out, b, r)

        _copy_rows(out_rows, s, N)

    return deg_kernel


def _make_agg_kernel(rpe, N, H):
    ept = rpe * CHW
    nch = ept // CA

    @functools.partial(
        pl.kernel,
        out_type=jax.ShapeDtypeStruct((NC, N, H), jnp.float32),
        mesh=_sc_mesh(),
        scratch_types=[
            pltpu.VMEM((ept,), jnp.int32),
            pltpu.VMEM((ept,), jnp.int32),
            pltpu.VMEM((CA,), jnp.int32),
            pltpu.VMEM((CA,), jnp.int32),
            pltpu.VMEM((CA, H), jnp.float32),
            pltpu.VMEM((CA, H), jnp.float32),
            pltpu.VMEM_SHARED((N, H), jnp.float32),
            pltpu.SemaphoreType.DMA,
            pltpu.SemaphoreType.DMA,
        ],
    )
    def agg_kernel(src_hbm, dst_hbm, hn_hbm, zagg_hbm,
                   agg_out,
                   sidxb, didxb, dix0, dix1, rows0, rows1, agg_sh, sem0, sem1):
        c = lax.axis_index("c")
        s = lax.axis_index("s")
        wid = s * NC + c

        pltpu.sync_copy(src_hbm.at[pl.ds(wid * ept, ept)], sidxb)
        pltpu.sync_copy(dst_hbm.at[pl.ds(wid * ept, ept)], didxb)

        def zero_rows(b, r):
            pltpu.sync_copy(zagg_hbm.at[pl.ds(b, r)], agg_sh.at[pl.ds(b, r)])

        _copy_rows(zero_rows, s, N)
        plsc.subcore_barrier()

        def gather(i, buf, sem):
            return pltpu.async_copy(
                hn_hbm.at[sidxb.at[pl.ds(i * CA, CA)]], buf, sem)

        def gwait(i, buf, sem):
            pltpu.make_async_copy(
                hn_hbm.at[sidxb.at[pl.ds(i * CA, CA)]], buf, sem).wait()

        gather(0, rows0, sem0)

        def pair(j, carry):
            i0 = j * 2
            gather(i0 + 1, rows1, sem1)
            _fill_chunk(dix0, didxb, i0 * CA, CA, clamp=N - 1)
            gwait(i0, rows0, sem0)
            pltpu.sync_copy(rows0, agg_sh.at[dix0], add=True)

            @pl.when(j < nch // 2 - 1)
            def _():
                gather(i0 + 2, rows0, sem0)

            _fill_chunk(dix1, didxb, (i0 + 1) * CA, CA, clamp=N - 1)
            gwait(i0 + 1, rows1, sem1)
            pltpu.sync_copy(rows1, agg_sh.at[dix1], add=True)
            return carry

        lax.fori_loop(0, nch // 2, pair, 0)
        plsc.subcore_barrier()

        def out_rows(b, r):
            pltpu.sync_copy(agg_sh.at[pl.ds(b, r)], agg_out.at[c, pl.ds(b, r)])

        _copy_rows(out_rows, s, N)

    return agg_kernel


def _matmul_norm_kernel(x_ref, w_ref, deg0_ref, deg1_ref, hn_ref):
    deg = deg0_ref[...] + deg1_ref[...]
    norm = lax.rsqrt(jnp.maximum(deg, 1.0))
    h = jnp.dot(x_ref[...], w_ref[...], preferred_element_type=jnp.float32)
    hn_ref[...] = h * norm


def _finalize_kernel(aggp_ref, deg0_ref, deg1_ref, b_ref, out_ref):
    agg = aggp_ref[0] + aggp_ref[1]
    deg = deg0_ref[...] + deg1_ref[...]
    norm = lax.rsqrt(jnp.maximum(deg, 1.0))
    out_ref[...] = jnp.maximum(agg * norm + b_ref[...], 0.0)


def kernel(edge_index, x, W1, b1):
    N, D = x.shape
    H = W1.shape[1]
    E = edge_index.shape[1]

    rpe = -(-E // (NW * 8 * CHW)) * 8
    e_pad = NW * rpe * CHW
    pad = e_pad - E
    src = jnp.concatenate([edge_index[0], jnp.full((pad,), N, jnp.int32)])
    dst = jnp.concatenate([edge_index[1], jnp.full((pad,), N, jnp.int32)])

    degs0, degs1, degd0, degd1 = _make_deg_kernel(rpe, N)(src, dst)
    degs0 = degs0.reshape(N, 1)
    degs1 = degs1.reshape(N, 1)
    degd0 = degd0.reshape(N, 1)
    degd1 = degd1.reshape(N, 1)

    RB = 1000
    grid = (N // RB,)
    hn = pl.pallas_call(
        _matmul_norm_kernel,
        grid=grid,
        in_specs=[
            pl.BlockSpec((RB, D), lambda i: (i, 0)),
            pl.BlockSpec((D, H), lambda i: (0, 0)),
            pl.BlockSpec((RB, 1), lambda i: (i, 0)),
            pl.BlockSpec((RB, 1), lambda i: (i, 0)),
        ],
        out_specs=pl.BlockSpec((RB, H), lambda i: (i, 0)),
        out_shape=jax.ShapeDtypeStruct((N, H), jnp.float32),
    )(x, W1, degs0, degs1)

    hn_pad = jnp.concatenate([hn, jnp.zeros((PAD_N, H), jnp.float32)])
    zagg = jnp.zeros((N, H), jnp.float32)
    aggp = _make_agg_kernel(rpe, N, H)(src, dst, hn_pad, zagg)

    out = pl.pallas_call(
        _finalize_kernel,
        grid=grid,
        in_specs=[
            pl.BlockSpec((NC, RB, H), lambda i: (0, i, 0)),
            pl.BlockSpec((RB, 1), lambda i: (i, 0)),
            pl.BlockSpec((RB, 1), lambda i: (i, 0)),
            pl.BlockSpec((1, H), lambda i: (0, 0)),
        ],
        out_specs=pl.BlockSpec((RB, H), lambda i: (i, 0)),
        out_shape=jax.ShapeDtypeStruct((N, H), jnp.float32),
    )(aggp, degd0, degd1, b1.reshape(1, H))
    return out

# --- scband reference (transcript-rebuilt; emitter-appended) ---
"""Pipeline reference for scband-gcnnet-9758165697094 (READ-ONLY COPY).

The authoritative reference and input builder live on the scoring server;
editing this copy changes nothing except your own understanding.
"""

import jax, jax.numpy as jnp
import numpy as np

N = 10000
E = 320000
D = 128
H = 128

def setup_inputs(seed: int = 0) -> dict:
    key = jax.random.key(seed)
    k1, k2, k3 = jax.random.split(key, 3)
    edge_index = jax.random.randint(k1, (2, E), 0, N, dtype=jnp.int32)
    x = jax.random.normal(k2, (N, D), dtype=jnp.float32)
    # GraphConv (DGL-style) learned parameters: weight [D, H], bias [H]
    W1 = jax.random.normal(k3, (D, H), dtype=jnp.float32) * (1.0 / np.sqrt(D))
    b1 = jnp.zeros((H,), dtype=jnp.float32)
    return {"edge_index": edge_index, "x": x, "W1": W1, "b1": b1}

def reference(edge_index, x, W1, b1):
    # GCNNet.forward: x = conv1(edge_index, x); relu; dropout (identity in eval/deterministic mode)
    # conv1 = GraphConv(num_features, hidden_dim) with symmetric ('both') normalization:
    #   out = D_in^{-1/2} A D_out^{-1/2} (x W) + b
    src = edge_index[0]
    dst = edge_index[1]
    n = x.shape[0]
    ones = jnp.ones(src.shape[0], dtype=x.dtype)
    out_deg = jnp.zeros((n,), dtype=x.dtype).at[src].add(ones)
    in_deg = jnp.zeros((n,), dtype=x.dtype).at[dst].add(ones)
    norm_src = jnp.clip(out_deg, 1.0, None) ** -0.5
    norm_dst = jnp.clip(in_deg, 1.0, None) ** -0.5
    h = x @ W1
    msg = h[src] * norm_src[src][:, None]
    agg = jnp.zeros((n, h.shape[1]), dtype=h.dtype).at[dst].add(msg)
    out = agg * norm_dst[:, None] + b1
    out = jax.nn.relu(out)
    # F.dropout(p=0.5): treated as identity for deterministic reference
    return out

if __name__ == "__main__":
    import jax
    _d = setup_inputs()
    print(jax.jit(kernel)(*tuple(_d.values())))

</pallas_src>

<mosaic_0001>
#map = affine_map<(d0, d1) -> (0)>
module attributes {stable_mosaic.version = 14 : i64} {
  func.func @deg_kernel(%arg0: i32, %arg1: i32, %arg2: memref<327680xi32, #tpu.memory_space<hbm>>, %arg3: memref<327680xi32, #tpu.memory_space<hbm>>, %arg4: memref<10000xf32, #tpu.memory_space<hbm>>, %arg5: memref<10000xf32, #tpu.memory_space<hbm>>, %arg6: memref<10000xf32, #tpu.memory_space<hbm>>, %arg7: memref<10000xf32, #tpu.memory_space<hbm>>, %arg8: memref<10240xi32, #tpu.memory_space<vmem>>, %arg9: memref<10240xi32, #tpu.memory_space<vmem>>, %arg10: memref<128xi32, #tpu.memory_space<vmem>>, %arg11: memref<128xi32, #tpu.memory_space<vmem>>, %arg12: memref<128xf32, #tpu.memory_space<vmem>>, %arg13: memref<624xf32, #tpu.memory_space<vmem>>, %arg14: memref<10016xf32, #tpu.memory_space<vmem_shared>>, %arg15: memref<10016xf32, #tpu.memory_space<vmem_shared>>) attributes {dimension_semantics = [#tpu.dimension_semantics<core_parallel>, #tpu.dimension_semantics<subcore_parallel>], iteration_bounds = array<i64: 2, 16>, scalar_prefetch = 0 : i64, scratch_operands = 8 : i64, tpu.core_type = #tpu.core_type<sc_vector_subcore>, window_params = [{transform_indices = #map}, {transform_indices = #map}, {transform_indices = #map}, {transform_indices = #map}, {transform_indices = #map}, {transform_indices = #map}]} {
    %mul3A = arith.constant 2 : i32
    %mul3A_0 = arith.muli %arg1, %mul3A : i32
    %add3A = arith.addi %mul3A_0, %arg0 : i32
    %mul3A_1 = arith.constant 10240 : i32
    %mul3A_2 = arith.muli %add3A, %mul3A_1 : i32
    "tpu.region"() ({
      %run_scoped3A = tpu.sem_alloc : memref<!tpu.dma_semaphore, #tpu.memory_space<semaphore_mem>>
      %dma_start3A = tpu.memref_slice %arg2[%mul3A_2] : memref<327680xi32, #tpu.memory_space<hbm>> -> memref<10240xi32, #tpu.memory_space<hbm>>
      %dma_start3A_317 = tpu.memref_slice %arg2[%mul3A_2] : memref<327680xi32, #tpu.memory_space<hbm>> -> memref<10240xi32, #tpu.memory_space<hbm>>
      tpu.enqueue_dma source(%dma_start3A_317 : memref<10240xi32, #tpu.memory_space<hbm>>) target(%arg8 : memref<10240xi32, #tpu.memory_space<vmem>>) target_semaphore(%run_scoped3A : memref<!tpu.dma_semaphore, #tpu.memory_space<semaphore_mem>>)
      %dma_wait3A = tpu.memref_slice %arg2[%mul3A_2] : memref<327680xi32, #tpu.memory_space<hbm>> -> memref<10240xi32, #tpu.memory_space<hbm>>
      %dma_wait3A_318 = tpu.memref_slice %arg2[%mul3A_2] : memref<327680xi32, #tpu.memory_space<hbm>> -> memref<10240xi32, #tpu.memory_space<hbm>>
      tpu.wait_dma2 semaphore(%run_scoped3A : memref<!tpu.dma_semaphore, #tpu.memory_space<semaphore_mem>>) src(%dma_wait3A_318 : memref<10240xi32, #tpu.memory_space<hbm>>) dst(%arg8 : memref<10240xi32, #tpu.memory_space<vmem>>)
      tpu.yield
    }) : () -> ()
    %mul3A_3 = arith.constant 10240 : i32
    %mul3A_4 = arith.muli %add3A, %mul3A_3 : i32
    "tpu.region"() ({
      %run_scoped3A = tpu.sem_alloc : memref<!tpu.dma_semaphore, #tpu.memory_space<semaphore_mem>>
      %dma_start3A = tpu.memref_slice %arg3[%mul3A_4] : memref<327680xi32, #tpu.memory_space<hbm>> -> memref<10240xi32, #tpu.memory_space<hbm>>
      %dma_start3A_317 = tpu.memref_slice %arg3[%mul3A_4] : memref<327680xi32, #tpu.memory_space<hbm>> -> memref<10240xi32, #tpu.memory_space<hbm>>
      tpu.enqueue_dma source(%dma_start3A_317 : memref<10240xi32, #tpu.memory_space<hbm>>) target(%arg9 : memref<10240xi32, #tpu.memory_space<vmem>>) target_semaphore(%run_scoped3A : memref<!tpu.dma_semaphore, #tpu.memory_space<semaphore_mem>>)
      %dma_wait3A = tpu.memref_slice %arg3[%mul3A_4] : memref<327680xi32, #tpu.memory_space<hbm>> -> memref<10240xi32, #tpu.memory_space<hbm>>
      %dma_wait3A_318 = tpu.memref_slice %arg3[%mul3A_4] : memref<327680xi32, #tpu.memory_space<hbm>> -> memref<10240xi32, #tpu.memory_space<hbm>>
      tpu.wait_dma2 semaphore(%run_scoped3A : memref<!tpu.dma_semaphore, #tpu.memory_space<semaphore_mem>>) src(%dma_wait3A_318 : memref<10240xi32, #tpu.memory_space<hbm>>) dst(%arg9 : memref<10240xi32, #tpu.memory_space<vmem>>)
      tpu.yield
    }) : () -> ()
    %broadcast_in_dim3A = arith.constant 1.000000e+00 : f32
    %broadcast_in_dim3A_5 = vector.broadcast %broadcast_in_dim3A : f32 to vector<16xf32>
    %swap3A = arith.constant 0 : index
    %swap3A_6 = tpu.vector_load %arg12[%swap3A] {strides = array<i32>} : memref<128xf32, #tpu.memory_space<vmem>>, vector<16xf32>,
    %swap3A_7 = vector.shape_cast %swap3A_6 : vector<16xf32> to vector<16xf32>
    %swap3A_8 = vector.shape_cast %broadcast_in_dim3A_5 : vector<16xf32> to vector<16xf32>
    tpu.vector_store %arg12[%swap3A], %swap3A_8 {strides = array<i32>} : memref<128xf32, #tpu.memory_space<vmem>>, vector<16xf32>,
    %broadcast_in_dim3A_9 = arith.constant 1.000000e+00 : f32
    %broadcast_in_dim3A_10 = vector.broadcast %broadcast_in_dim3A_9 : f32 to vector<16xf32>
    %swap3A_11 = arith.constant 16 : index
    %swap3A_12 = tpu.vector_load %arg12[%swap3A_11] {strides = array<i32>} : memref<128xf32, #tpu.memory_space<vmem>>, vector<16xf32>,
    %swap3A_13 = vector.shape_cast %swap3A_12 : vector<16xf32> to vector<16xf32>
    %swap3A_14 = vector.shape_cast %broadcast_in_dim3A_10 : vector<16xf32> to vector<16xf32>
    tpu.vector_store %arg12[%swap3A_11], %swap3A_14 {strides = array<i32>} : memref<128xf32, #tpu.memory_space<vmem>>, vector<16xf32>,
    %broadcast_in_dim3A_15 = arith.constant 1.000000e+00 : f32
    %broadcast_in_dim3A_16 = vector.broadcast %broadcast_in_dim3A_15 : f32 to vector<16xf32>
    %swap3A_17 = arith.constant 32 : index
    %swap3A_18 = tpu.vector_load %arg12[%swap3A_17] {strides = array<i32>} : memref<128xf32, #tpu.memory_space<vmem>>, vector<16xf32>,
    %swap3A_19 = vector.shape_cast %swap3A_18 : vector<16xf32> to vector<16xf32>
    %swap3A_20 = vector.shape_cast %broadcast_in_dim3A_16 : vector<16xf32> to vector<16xf32>
    tpu.vector_store %arg12[%swap3A_17], %swap3A_20 {strides = array<i32>} : memref<128xf32, #tpu.memory_space<vmem>>, vector<16xf32>,
    %broadcast_in_dim3A_21 = arith.constant 1.000000e+00 : f32
    %broadcast_in_dim3A_22 = vector.broadcast %broadcast_in_dim3A_21 : f32 to vector<16xf32>
    %swap3A_23 = arith.constant 48 : index
    %swap3A_24 = tpu.vector_load %arg12[%swap3A_23] {strides = array<i32>} : memref<128xf32, #tpu.memory_space<vmem>>, vector<16xf32>,
    %swap3A_25 = vector.shape_cast %swap3A_24 : vector<16xf32> to vector<16xf32>
    %swap3A_26 = vector.shape_cast %broadcast_in_dim3A_22 : vector<16xf32> to vector<16xf32>
    tpu.vector_store %arg12[%swap3A_23], %swap3A_26 {strides = array<i32>} : memref<128xf32, #tpu.memory_space<vmem>>, vector<16xf32>,
    %broadcast_in_dim3A_27 = arith.constant 1.000000e+00 : f32
    %broadcast_in_dim3A_28 = vector.broadcast %broadcast_in_dim3A_27 : f32 to vector<16xf32>
    %swap3A_29 = arith.constant 64 : index
    %swap3A_30 = tpu.vector_load %arg12[%swap3A_29] {strides = array<i32>} : memref<128xf32, #tpu.memory_space<vmem>>, vector<16xf32>,
    %swap3A_31 = vector.shape_cast %swap3A_30 : vector<16xf32> to vector<16xf32>
    %swap3A_32 = vector.shape_cast %broadcast_in_dim3A_28 : vector<16xf32> to vector<16xf32>
    tpu.vector_store %arg12[%swap3A_29], %swap3A_32 {strides = array<i32>} : memref<128xf32, #tpu.memory_space<vmem>>, vector<16xf32>,
    %broadcast_in_dim3A_33 = arith.constant 1.000000e+00 : f32
    %broadcast_in_dim3A_34 = vector.broadcast %broadcast_in_dim3A_33 : f32 to vector<16xf32>
    %swap3A_35 = arith.constant 80 : index
    %swap3A_36 = tpu.vector_load %arg12[%swap3A_35] {strides = array<i32>} : memref<128xf32, #tpu.memory_space<vmem>>, vector<16xf32>,
    %swap3A_37 = vector.shape_cast %swap3A_36 : vector<16xf32> to vector<16xf32>
    %swap3A_38 = vector.shape_cast %broadcast_in_dim3A_34 : vector<16xf32> to vector<16xf32>
    tpu.vector_store %arg12[%swap3A_35], %swap3A_38 {strides = array<i32>} : memref<128xf32, #tpu.memory_space<vmem>>, vector<16xf32>,
    %broadcast_in_dim3A_39 = arith.constant 1.000000e+00 : f32
    %broadcast_in_dim3A_40 = vector.broadcast %broadcast_in_dim3A_39 : f32 to vector<16xf32>
    %swap3A_41 = arith.constant 96 : index
    %swap3A_42 = tpu.vector_load %arg12[%swap3A_41] {strides = array<i32>} : memref<128xf32, #tpu.memory_space<vmem>>, vector<16xf32>,
    %swap3A_43 = vector.shape_cast %swap3A_42 : vector<16xf32> to vector<16xf32>
    %swap3A_44 = vector.shape_cast %broadcast_in_dim3A_40 : vector<16xf32> to vector<16xf32>
    tpu.vector_store %arg12[%swap3A_41], %swap3A_44 {strides = array<i32>} : memref<128xf32, #tpu.memory_space<vmem>>, vector<16xf32>,
    %broadcast_in_dim3A_45 = arith.constant 1.000000e+00 : f32
    %broadcast_in_dim3A_46 = vector.broadcast %broadcast_in_dim3A_45 : f32 to vector<16xf32>
    %swap3A_47 = arith.constant 112 : index
    %swap3A_48 = tpu.vector_load %arg12[%swap3A_47] {strides = array<i32>} : memref<128xf32, #tpu.memory_space<vmem>>, vector<16xf32>,
    %swap3A_49 = vector.shape_cast %swap3A_48 : vector<16xf32> to vector<16xf32>
    %swap3A_50 = vector.shape_cast %broadcast_in_dim3A_46 : vector<16xf32> to vector<16xf32>
    tpu.vector_store %arg12[%swap3A_47], %swap3A_50 {strides = array<i32>} : memref<128xf32, #tpu.memory_space<vmem>>, vector<16xf32>,
    %broadcast_in_dim3A_51 = arith.constant 0.000000e+00 : f32
    %broadcast_in_dim3A_52 = vector.broadcast %broadcast_in_dim3A_51 : f32 to vector<16xf32>
    %swap3A_53 = arith.constant 0 : index
    %swap3A_54 = tpu.vector_load %arg13[%swap3A_53] {strides = array<i32>} : memref<624xf32, #tpu.memory_space<vmem>>, vector<16xf32>,
    %swap3A_55 = vector.shape_cast %swap3A_54 : vector<16xf32> to vector<16xf32>
    %swap3A_56 = vector.shape_cast %broadcast_in_dim3A_52 : vector<16xf32> to vector<16xf32>
    tpu.vector_store %arg13[%swap3A_53], %swap3A_56 {strides = array<i32>} : memref<624xf32, #tpu.memory_space<vmem>>, vector<16xf32>,
    %broadcast_in_dim3A_57 = arith.constant 0.000000e+00 : f32
    %broadcast_in_dim3A_58 = vector.broadcast %broadcast_in_dim3A_57 : f32 to vector<16xf32>
    %swap3A_59 = arith.constant 16 : index
    %swap3A_60 = tpu.vector_load %arg13[%swap3A_59] {strides = array<i32>} : memref<624xf32, #tpu.memory_space<vmem>>, vector<16xf32>,
    %swap3A_61 = vector.shape_cast %swap3A_60 : vector<16xf32> to vector<16xf32>
    %swap3A_62 = vector.shape_cast %broadcast_in_dim3A_58 : vector<16xf32> to vector<16xf32>
    tpu.vector_store %arg13[%swap3A_59], %swap3A_62 {strides = array<i32>} : memref<624xf32, #tpu.memory_space<vmem>>, vector<16xf32>,
    %broadcast_in_dim3A_63 = arith.constant 0.000000e+00 : f32
    %broadcast_in_dim3A_64 = vector.broadcast %broadcast_in_dim3A_63 : f32 to vector<16xf32>
    %swap3A_65 = arith.constant 32 : index
    %swap3A_66 = tpu.vector_load %arg13[%swap3A_65] {strides = array<i32>} : memref<624xf32, #tpu.memory_space<vmem>>, vector<16xf32>,
    %swap3A_67 = vector.shape_cast %swap3A_66 : vector<16xf32> to vector<16xf32>
    %swap3A_68 = vector.shape_cast %broadcast_in_dim3A_64 : vector<16xf32> to vector<16xf32>
    tpu.vector_store %arg13[%swap3A_65], %swap3A_68 {strides = array<i32>} : memref<624xf32, #tpu.memory_space<vmem>>, vector<16xf32>,
    %broadcast_in_dim3A_69 = arith.constant 0.000000e+00 : f32
    %broadcast_in_dim3A_70 = vector.broadcast %broadcast_in_dim3A_69 : f32 to vector<16xf32>
    %swap3A_71 = arith.constant 48 : index
    %swap3A_72 = tpu.vector_load %arg13[%swap3A_71] {strides = array<i32>} : memref<624xf32, #tpu.memory_space<vmem>>, vector<16xf32>,
    %swap3A_73 = vector.shape_cast %swap3A_72 : vector<16xf32> to vector<16xf32>
    %swap3A_74 = vector.shape_cast %broadcast_in_dim3A_70 : vector<16xf32> to vector<16xf32>
    tpu.vector_store %arg13[%swap3A_71], %swap3A_74 {strides = array<i32>} : memref<624xf32, #tpu.memory_space<vmem>>, vector<16xf32>,
    %broadcast_in_dim3A_75 = arith.constant 0.000000e+00 : f32
    %broadcast_in_dim3A_76 = vector.broadcast %broadcast_in_dim3A_75 : f32 to vector<16xf32>
    %swap3A_77 = arith.constant 64 : index
    %swap3A_78 = tpu.vector_load %arg13[%swap3A_77] {strides = array<i32>} : memref<624xf32, #tpu.memory_space<vmem>>, vector<16xf32>,
    %swap3A_79 = vector.shape_cast %swap3A_78 : vector<16xf32> to vector<16xf32>
    %swap3A_80 = vector.shape_cast %broadcast_in_dim3A_76 : vector<16xf32> to vector<16xf32>
    tpu.vector_store %arg13[%swap3A_77], %swap3A_80 {strides = array<i32>} : memref<624xf32, #tpu.memory_space<vmem>>, vector<16xf32>,
    %broadcast_in_dim3A_81 = arith.constant 0.000000e+00 : f32
    %broadcast_in_dim3A_82 = vector.broadcast %broadcast_in_dim3A_81 : f32 to vector<16xf32>
    %swap3A_83 = arith.constant 80 : index
    %swap3A_84 = tpu.vector_load %arg13[%swap3A_83] {strides = array<i32>} : memref<624xf32, #tpu.memory_space<vmem>>, vector<16xf32>,
    %swap3A_85 = vector.shape_cast %swap3A_84 : vector<16xf32> to vector<16xf32>
    %swap3A_86 = vector.shape_cast %broadcast_in_dim3A_82 : vector<16xf32> to vector<16xf32>
    tpu.vector_store %arg13[%swap3A_83], %swap3A_86 {strides = array<i32>} : memref<624xf32, #tpu.memory_space<vmem>>, vector<16xf32>,
    %broadcast_in_dim3A_87 = arith.constant 0.000000e+00 : f32
    %broadcast_in_dim3A_88 = vector.broadcast %broadcast_in_dim3A_87 : f32 to vector<16xf32>
    %swap3A_89 = arith.constant 96 : index
    %swap3A_90 = tpu.vector_load %arg13[%swap3A_89] {strides = array<i32>} : memref<624xf32, #tpu.memory_space<vmem>>, vector<16xf32>,
    %swap3A_91 = vector.shape_cast %swap3A_90 : vector<16xf32> to vector<16xf32>
    %swap3A_92 = vector.shape_cast %broadcast_in_dim3A_88 : vector<16xf32> to vector<16xf32>
    tpu.vector_store %arg13[%swap3A_89], %swap3A_92 {strides = array<i32>} : memref<624xf32, #tpu.memory_space<vmem>>, vector<16xf32>,
    %broadcast_in_dim3A_93 = arith.constant 0.000000e+00 : f32
    %broadcast_in_dim3A_94 = vector.broadcast %broadcast_in_dim3A_93 : f32 to vector<16xf32>
    %swap3A_95 = arith.constant 112 : index
    %swap3A_96 = tpu.vector_load %arg13[%swap3A_95] {strides = array<i32>} : memref<624xf32, #tpu.memory_space<vmem>>, vector<16xf32>,
    %swap3A_97 = vector.shape_cast %swap3A_96 : vector<16xf32> to vector<16xf32>
    %swap3A_98 = vector.shape_cast %broadcast_in_dim3A_94 : vector<16xf32> to vector<16xf32>
    tpu.vector_store %arg13[%swap3A_95], %swap3A_98 {strides = array<i32>} : memref<624xf32, #tpu.memory_space<vmem>>, vector<16xf32>,
    %broadcast_in_dim3A_99 = arith.constant 0.000000e+00 : f32
    %broadcast_in_dim3A_100 = vector.broadcast %broadcast_in_dim3A_99 : f32 to vector<16xf32>
    %swap3A_101 = arith.constant 128 : index
    %swap3A_102 = tpu.vector_load %arg13[%swap3A_101] {strides = array<i32>} : memref<624xf32, #tpu.memory_space<vmem>>, vector<16xf32>,
    %swap3A_103 = vector.shape_cast %swap3A_102 : vector<16xf32> to vector<16xf32>
    %swap3A_104 = vector.shape_cast %broadcast_in_dim3A_100 : vector<16xf32> to vector<16xf32>
    tpu.vector_store %arg13[%swap3A_101], %swap3A_104 {strides = array<i32>} : memref<624xf32, #tpu.memory_space<vmem>>, vector<16xf32>,
    %broadcast_in_dim3A_105 = arith.constant 0.000000e+00 : f32
    %broadcast_in_dim3A_106 = vector.broadcast %broadcast_in_dim3A_105 : f32 to vector<16xf32>
    %swap3A_107 = arith.constant 144 : index
    %swap3A_108 = tpu.vector_load %arg13[%swap3A_107] {strides = array<i32>} : memref<624xf32, #tpu.memory_space<vmem>>, vector<16xf32>,
    %swap3A_109 = vector.shape_cast %swap3A_108 : vector<16xf32> to vector<16xf32>
    %swap3A_110 = vector.shape_cast %broadcast_in_dim3A_106 : vector<16xf32> to vector<16xf32>
    tpu.vector_store %arg13[%swap3A_107], %swap3A_110 {strides = array<i32>} : memref<624xf32, #tpu.memory_space<vmem>>, vector<16xf32>,
    %broadcast_in_dim3A_111 = arith.constant 0.000000e+00 : f32
    %broadcast_in_dim3A_112 = vector.broadcast %broadcast_in_dim3A_111 : f32 to vector<16xf32>
    %swap3A_113 = arith.constant 160 : index
    %swap3A_114 = tpu.vector_load %arg13[%swap3A_113] {strides = array<i32>} : memref<624xf32, #tpu.memory_space<vmem>>, vector<16xf32>,
    %swap3A_115 = vector.shape_cast %swap3A_114 : vector<16xf32> to vector<16xf32>
    %swap3A_116 = vector.shape_cast %broadcast_in_dim3A_112 : vector<16xf32> to vector<16xf32>
    tpu.vector_store %arg13[%swap3A_113], %swap3A_116 {strides = array<i32>} : memref<624xf32, #tpu.memory_space<vmem>>, vector<16xf32>,
    %broadcast_in_dim3A_117 = arith.constant 0.000000e+00 : f32
    %broadcast_in_dim3A_118 = vector.broadcast %broadcast_in_dim3A_117 : f32 to vector<16xf32>
    %swap3A_119 = arith.constant 176 : index
    %swap3A_120 = tpu.vector_load %arg13[%swap3A_119] {strides = array<i32>} : memref<624xf32, #tpu.memory_space<vmem>>, vector<16xf32>,
    %swap3A_121 = vector.shape_cast %swap3A_120 : vector<16xf32> to vector<16xf32>
    %swap3A_122 = vector.shape_cast %broadcast_in_dim3A_118 : vector<16xf32> to vector<16xf32>
    tpu.vector_store %arg13[%swap3A_119], %swap3A_122 {strides = array<i32>} : memref<624xf32, #tpu.memory_space<vmem>>, vector<16xf32>,
    %broadcast_in_dim3A_123 = arith.constant 0.000000e+00 : f32
    %broadcast_in_dim3A_124 = vector.broadcast %broadcast_in_dim3A_123 : f32 to vector<16xf32>
    %swap3A_125 = arith.constant 192 : index
    %swap3A_126 = tpu.vector_load %arg13[%swap3A_125] {strides = array<i32>} : memref<624xf32, #tpu.memory_space<vmem>>, vector<16xf32>,
    %swap3A_127 = vector.shape_cast %swap3A_126 : vector<16xf32> to vector<16xf32>
    %swap3A_128 = vector.shape_cast %broadcast_in_dim3A_124 : vector<16xf32> to vector<16xf32>
    tpu.vector_store %arg13[%swap3A_125], %swap3A_128 {strides = array<i32>} : memref<624xf32, #tpu.memory_space<vmem>>, vector<16xf32>,
    %broadcast_in_dim3A_129 = arith.constant 0.000000e+00 : f32
    %broadcast_in_dim3A_130 = vector.broadcast %broadcast_in_dim3A_129 : f32 to vector<16xf32>
    %swap3A_131 = arith.constant 208 : index
    %swap3A_132 = tpu.vector_load %arg13[%swap3A_131] {strides = array<i32>} : memref<624xf32, #tpu.memory_space<vmem>>, vector<16xf32>,
    %swap3A_133 = vector.shape_cast %swap3A_132 : vector<16xf32> to vector<16xf32>
    %swap3A_134 = vector.shape_cast %broadcast_in_dim3A_130 : vector<16xf32> to vector<16xf32>
    tpu.vector_store %arg13[%swap3A_131], %swap3A_134 {strides = array<i32>} : memref<624xf32, #tpu.memory_space<vmem>>, vector<16xf32>,
    %broadcast_in_dim3A_135 = arith.constant 0.000000e+00 : f32
    %broadcast_in_dim3A_136 = vector.broadcast %broadcast_in_dim3A_135 : f32 to vector<16xf32>
    %swap3A_137 = arith.constant 224 : index
    %swap3A_138 = tpu.vector_load %arg13[%swap3A_137] {strides = array<i32>} : memref<624xf32, #tpu.memory_space<vmem>>, vector<16xf32>,
    %swap3A_139 = vector.shape_cast %swap3A_138 : vector<16xf32> to vector<16xf32>
    %swap3A_140 = vector.shape_cast %broadcast_in_dim3A_136 : vector<16xf32> to vector<16xf32>
    tpu.vector_store %arg13[%swap3A_137], %swap3A_140 {strides = array<i32>} : memref<624xf32, #tpu.memory_space<vmem>>, vector<16xf32>,
    %broadcast_in_dim3A_141 = arith.constant 0.000000e+00 : f32
    %broadcast_in_dim3A_142 = vector.broadcast %broadcast_in_dim3A_141 : f32 to vector<16xf32>
    %swap3A_143 = arith.constant 240 : index
    %swap3A_144 = tpu.vector_load %arg13[%swap3A_143] {strides = array<i32>} : memref<624xf32, #tpu.memory_space<vmem>>, vector<16xf32>,
    %swap3A_145 = vector.shape_cast %swap3A_144 : vector<16xf32> to vector<16xf32>
    %swap3A_146 = vector.shape_cast %broadcast_in_dim3A_142 : vector<16xf32> to vector<16xf32>
    tpu.vector_store %arg13[%swap3A_143], %swap3A_146 {strides = array<i32>} : memref<624xf32, #tpu.memory_space<vmem>>, vector<16xf32>,
    %broadcast_in_dim3A_147 = arith.constant 0.000000e+00 : f32
    %broadcast_in_dim3A_148 = vector.broadcast %broadcast_in_dim3A_147 : f32 to vector<16xf32>
    %swap3A_149 = arith.constant 256 : index
    %swap3A_150 = tpu.vector_load %arg13[%swap3A_149] {strides = array<i32>} : memref<624xf32, #tpu.memory_space<vmem>>, vector<16xf32>,
    %swap3A_151 = vector.shape_cast %swap3A_150 : vector<16xf32> to vector<16xf32>
    %swap3A_152 = vector.shape_cast %broadcast_in_dim3A_148 : vector<16xf32> to vector<16xf32>
    tpu.vector_store %arg13[%swap3A_149], %swap3A_152 {strides = array<i32>} : memref<624xf32, #tpu.memory_space<vmem>>, vector<16xf32>,
    %broadcast_in_dim3A_153 = arith.constant 0.000000e+00 : f32
    %broadcast_in_dim3A_154 = vector.broadcast %broadcast_in_dim3A_153 : f32 to vector<16xf32>
    %swap3A_155 = arith.constant 272 : index
    %swap3A_156 = tpu.vector_load %arg13[%swap3A_155] {strides = array<i32>} : memref<624xf32, #tpu.memory_space<vmem>>, vector<16xf32>,
    %swap3A_157 = vector.shape_cast %swap3A_156 : vector<16xf32> to vector<16xf32>
    %swap3A_158 = vector.shape_cast %broadcast_in_dim3A_154 : vector<16xf32> to vector<16xf32>
    tpu.vector_store %arg13[%swap3A_155], %swap3A_158 {strides = array<i32>} : memref<624xf32, #tpu.memory_space<vmem>>, vector<16xf32>,
    %broadcast_in_dim3A_159 = arith.constant 0.000000e+00 : f32
    %broadcast_in_dim3A_160 = vector.broadcast %broadcast_in_dim3A_159 : f32 to vector<16xf32>
    %swap3A_161 = arith.constant 288 : index
    %swap3A_162 = tpu.vector_load %arg13[%swap3A_161] {strides = array<i32>} : memref<624xf32, #tpu.memory_space<vmem>>, vector<16xf32>,
    %swap3A_163 = vector.shape_cast %swap3A_162 : vector<16xf32> to vector<16xf32>
    %swap3A_164 = vector.shape_cast %broadcast_in_dim3A_160 : vector<16xf32> to vector<16xf32>
    tpu.vector_store %arg13[%swap3A_161], %swap3A_164 {strides = array<i32>} : memref<624xf32, #tpu.memory_space<vmem>>, vector<16xf32>,
    %broadcast_in_dim3A_165 = arith.constant 0.000000e+00 : f32
    %broadcast_in_dim3A_166 = vector.broadcast %broadcast_in_dim3A_165 : f32 to vector<16xf32>
    %swap3A_167 = arith.constant 304 : index
    %swap3A_168 = tpu.vector_load %arg13[%swap3A_167] {strides = array<i32>} : memref<624xf32, #tpu.memory_space<vmem>>, vector<16xf32>,
    %swap3A_169 = vector.shape_cast %swap3A_168 : vector<16xf32> to vector<16xf32>
    %swap3A_170 = vector.shape_cast %broadcast_in_dim3A_166 : vector<16xf32> to vector<16xf32>
    tpu.vector_store %arg13[%swap3A_167], %swap3A_170 {strides = array<i32>} : memref<624xf32, #tpu.memory_space<vmem>>, vector<16xf32>,
    %broadcast_in_dim3A_171 = arith.constant 0.000000e+00 : f32
    %broadcast_in_dim3A_172 = vector.broadcast %broadcast_in_dim3A_171 : f32 to vector<16xf32>
    %swap3A_173 = arith.constant 320 : index
    %swap3A_174 = tpu.vector_load %arg13[%swap3A_173] {strides = array<i32>} : memref<624xf32, #tpu.memory_space<vmem>>, vector<16xf32>,
    %swap3A_175 = vector.shape_cast %swap3A_174 : vector<16xf32> to vector<16xf32>
    %swap3A_176 = vector.shape_cast %broadcast_in_dim3A_172 : vector<16xf32> to vector<16xf32>
    tpu.vector_store %arg13[%swap3A_173], %swap3A_176 {strides = array<i32>} : memref<624xf32, #tpu.memory_space<vmem>>, vector<16xf32>,
    %broadcast_in_dim3A_177 = arith.constant 0.000000e+00 : f32
    %broadcast_in_dim3A_178 = vector.broadcast %broadcast_in_dim3A_177 : f32 to vector<16xf32>
    %swap3A_179 = arith.constant 336 : index
    %swap3A_180 = tpu.vector_load %arg13[%swap3A_179] {strides = array<i32>} : memref<624xf32, #tpu.memory_space<vmem>>, vector<16xf32>,
    %swap3A_181 = vector.shape_cast %swap3A_180 : vector<16xf32> to vector<16xf32>
    %swap3A_182 = vector.shape_cast %broadcast_in_dim3A_178 : vector<16xf32> to vector<16xf32>
    tpu.vector_store %arg13[%swap3A_179], %swap3A_182 {strides = array<i32>} : memref<624xf32, #tpu.memory_space<vmem>>, vector<16xf32>,
    %broadcast_in_dim3A_183 = arith.constant 0.000000e+00 : f32
    %broadcast_in_dim3A_184 = vector.broadcast %broadcast_in_dim3A_183 : f32 to vector<16xf32>
    %swap3A_185 = arith.constant 352 : index
    %swap3A_186 = tpu.vector_load %arg13[%swap3A_185] {strides = array<i32>} : memref<624xf32, #tpu.memory_space<vmem>>, vector<16xf32>,
    %swap3A_187 = vector.shape_cast %swap3A_186 : vector<16xf32> to vector<16xf32>
    %swap3A_188 = vector.shape_cast %broadcast_in_dim3A_184 : vector<16xf32> to vector<16xf32>
    tpu.vector_store %arg13[%swap3A_185], %swap3A_188 {strides = array<i32>} : memref<624xf32, #tpu.memory_space<vmem>>, vector<16xf32>,
    %broadcast_in_dim3A_189 = arith.constant 0.000000e+00 : f32
    %broadcast_in_dim3A_190 = vector.broadcast %broadcast_in_dim3A_189 : f32 to vector<16xf32>
    %swap3A_191 = arith.constant 368 : index
    %swap3A_192 = tpu.vector_load %arg13[%swap3A_191] {strides = array<i32>} : memref<624xf32, #tpu.memory_space<vmem>>, vector<16xf32>,
    %swap3A_193 = vector.shape_cast %swap3A_192 : vector<16xf32> to vector<16xf32>
    %swap3A_194 = vector.shape_cast %broadcast_in_dim3A_190 : vector<16xf32> to vector<16xf32>
    tpu.vector_store %arg13[%swap3A_191], %swap3A_194 {strides = array<i32>} : memref<624xf32, #tpu.memory_space<vmem>>, vector<16xf32>,
    %broadcast_in_dim3A_195 = arith.constant 0.000000e+00 : f32
    %broadcast_in_dim3A_196 = vector.broadcast %broadcast_in_dim3A_195 : f32 to vector<16xf32>
    %swap3A_197 = arith.constant 384 : index
    %swap3A_198 = tpu.vector_load %arg13[%swap3A_197] {strides = array<i32>} : memref<624xf32, #tpu.memory_space<vmem>>, vector<16xf32>,
    %swap3A_199 = vector.shape_cast %swap3A_198 : vector<16xf32> to vector<16xf32>
    %swap3A_200 = vector.shape_cast %broadcast_in_dim3A_196 : vector<16xf32> to vector<16xf32>
    tpu.vector_store %arg13[%swap3A_197], %swap3A_200 {strides = array<i32>} : memref<624xf32, #tpu.memory_space<vmem>>, vector<16xf32>,
    %broadcast_in_dim3A_201 = arith.constant 0.000000e+00 : f32
    %broadcast_in_dim3A_202 = vector.broadcast %broadcast_in_dim3A_201 : f32 to vector<16xf32>
    %swap3A_203 = arith.constant 400 : index
    %swap3A_204 = tpu.vector_load %arg13[%swap3A_203] {strides = array<i32>} : memref<624xf32, #tpu.memory_space<vmem>>, vector<16xf32>,
    %swap3A_205 = vector.shape_cast %swap3A_204 : vector<16xf32> to vector<16xf32>
    %swap3A_206 = vector.shape_cast %broadcast_in_dim3A_202 : vector<16xf32> to vector<16xf32>
    tpu.vector_store %arg13[%swap3A_203], %swap3A_206 {strides = array<i32>} : memref<624xf32, #tpu.memory_space<vmem>>, vector<16xf32>,
    %broadcast_in_dim3A_207 = arith.constant 0.000000e+00 : f32
    %broadcast_in_dim3A_208 = vector.broadcast %broadcast_in_dim3A_207 : f32 to vector<16xf32>
    %swap3A_209 = arith.constant 416 : index
    %swap3A_210 = tpu.vector_load %arg13[%swap3A_209] {strides = array<i32>} : memref<624xf32, #tpu.memory_space<vmem>>, vector<16xf32>,
    %swap3A_211 = vector.shape_cast %swap3A_210 : vector<16xf32> to vector<16xf32>
    %swap3A_212 = vector.shape_cast %broadcast_in_dim3A_208 : vector<16xf32> to vector<16xf32>
    tpu.vector_store %arg13[%swap3A_209], %swap3A_212 {strides = array<i32>} : memref<624xf32, #tpu.memory_space<vmem>>, vector<16xf32>,
    %broadcast_in_dim3A_213 = arith.constant 0.000000e+00 : f32
    %broadcast_in_dim3A_214 = vector.broadcast %broadcast_in_dim3A_213 : f32 to vector<16xf32>
    %swap3A_215 = arith.constant 432 : index
    %swap3A_216 = tpu.vector_load %arg13[%swap3A_215] {strides = array<i32>} : memref<624xf32, #tpu.memory_space<vmem>>, vector<16xf32>,
    %swap3A_217 = vector.shape_cast %swap3A_216 : vector<16xf32> to vector<16xf32>
    %swap3A_218 = vector.shape_cast %broadcast_in_dim3A_214 : vector<16xf32> to vector<16xf32>
    tpu.vector_store %arg13[%swap3A_215], %swap3A_218 {strides = array<i32>} : memref<624xf32, #tpu.memory_space<vmem>>, vector<16xf32>,
    %broadcast_in_dim3A_219 = arith.constant 0.000000e+00 : f32
    %broadcast_in_dim3A_220 = vector.broadcast %broadcast_in_dim3A_219 : f32 to vector<16xf32>
    %swap3A_221 = arith.constant 448 : index
    %swap3A_222 = tpu.vector_load %arg13[%swap3A_221] {strides = array<i32>} : memref<624xf32, #tpu.memory_space<vmem>>, vector<16xf32>,
    %swap3A_223 = vector.shape_cast %swap3A_222 : vector<16xf32> to vector<16xf32>
    %swap3A_224 = vector.shape_cast %broadcast_in_dim3A_220 : vector<16xf32> to vector<16xf32>
    tpu.vector_store %arg13[%swap3A_221], %swap3A_224 {strides = array<i32>} : memref<624xf32, #tpu.memory_space<vmem>>, vector<16xf32>,
    %broadcast_in_dim3A_225 = arith.constant 0.000000e+00 : f32
    %broadcast_in_dim3A_226 = vector.broadcast %broadcast_in_dim3A_225 : f32 to vector<16xf32>
    %swap3A_227 = arith.constant 464 : index
    %swap3A_228 = tpu.vector_load %arg13[%swap3A_227] {strides = array<i32>} : memref<624xf32, #tpu.memory_space<vmem>>, vector<16xf32>,
    %swap3A_229 = vector.shape_cast %swap3A_228 : vector<16xf32> to vector<16xf32>
    %swap3A_230 = vector.shape_cast %broadcast_in_dim3A_226 : vector<16xf32> to vector<16xf32>
    tpu.vector_store %arg13[%swap3A_227], %swap3A_230 {strides = array<i32>} : memref<624xf32, #tpu.memory_space<vmem>>, vector<16xf32>,
    %broadcast_in_dim3A_231 = arith.constant 0.000000e+00 : f32
    %broadcast_in_dim3A_232 = vector.broadcast %broadcast_in_dim3A_231 : f32 to vector<16xf32>
    %swap3A_233 = arith.constant 480 : index
    %swap3A_234 = tpu.vector_load %arg13[%swap3A_233] {strides = array<i32>} : memref<624xf32, #tpu.memory_space<vmem>>, vector<16xf32>,
    %swap3A_235 = vector.shape_cast %swap3A_234 : vector<16xf32> to vector<16xf32>
    %swap3A_236 = vector.shape_cast %broadcast_in_dim3A_232 : vector<16xf32> to vector<16xf32>
    tpu.vector_store %arg13[%swap3A_233], %swap3A_236 {strides = array<i32>} : memref<624xf32, #tpu.memory_space<vmem>>, vector<16xf32>,
    %broadcast_in_dim3A_237 = arith.constant 0.000000e+00 : f32
    %broadcast_in_dim3A_238 = vector.broadcast %broadcast_in_dim3A_237 : f32 to vector<16xf32>
    %swap3A_239 = arith.constant 496 : index
    %swap3A_240 = tpu.vector_load %arg13[%swap3A_239] {strides = array<i32>} : memref<624xf32, #tpu.memory_space<vmem>>, vector<16xf32>,
    %swap3A_241 = vector.shape_cast %swap3A_240 : vector<16xf32> to vector<16xf32>
    %swap3A_242 = vector.shape_cast %broadcast_in_dim3A_238 : vector<16xf32> to vector<16xf32>
    tpu.vector_store %arg13[%swap3A_239], %swap3A_242 {strides = array<i32>} : memref<624xf32, #tpu.memory_space<vmem>>, vector<16xf32>,
    %broadcast_in_dim3A_243 = arith.constant 0.000000e+00 : f32
    %broadcast_in_dim3A_244 = vector.broadcast %broadcast_in_dim3A_243 : f32 to vector<16xf32>
    %swap3A_245 = arith.constant 512 : index
    %swap3A_246 = tpu.vector_load %arg13[%swap3A_245] {strides = array<i32>} : memref<624xf32, #tpu.memory_space<vmem>>, vector<16xf32>,
    %swap3A_247 = vector.shape_cast %swap3A_246 : vector<16xf32> to vector<16xf32>
    %swap3A_248 = vector.shape_cast %broadcast_in_dim3A_244 : vector<16xf32> to vector<16xf32>
    tpu.vector_store %arg13[%swap3A_245], %swap3A_248 {strides = array<i32>} : memref<624xf32, #tpu.memory_space<vmem>>, vector<16xf32>,
    %broadcast_in_dim3A_249 = arith.constant 0.000000e+00 : f32
    %broadcast_in_dim3A_250 = vector.broadcast %broadcast_in_dim3A_249 : f32 to vector<16xf32>
    %swap3A_251 = arith.constant 528 : index
    %swap3A_252 = tpu.vector_load %arg13[%swap3A_251] {strides = array<i32>} : memref<624xf32, #tpu.memory_space<vmem>>, vector<16xf32>,
    %swap3A_253 = vector.shape_cast %swap3A_252 : vector<16xf32> to vector<16xf32>
    %swap3A_254 = vector.shape_cast %broadcast_in_dim3A_250 : vector<16xf32> to vector<16xf32>
    tpu.vector_store %arg13[%swap3A_251], %swap3A_254 {strides = array<i32>} : memref<624xf32, #tpu.memory_space<vmem>>, vector<16xf32>,
    %broadcast_in_dim3A_255 = arith.constant 0.000000e+00 : f32
    %broadcast_in_dim3A_256 = vector.broadcast %broadcast_in_dim3A_255 : f32 to vector<16xf32>
    %swap3A_257 = arith.constant 544 : index
    %swap3A_258 = tpu.vector_load %arg13[%swap3A_257] {strides = array<i32>} : memref<624xf32, #tpu.memory_space<vmem>>, vector<16xf32>,
    %swap3A_259 = vector.shape_cast %swap3A_258 : vector<16xf32> to vector<16xf32>
    %swap3A_260 = vector.shape_cast %broadcast_in_dim3A_256 : vector<16xf32> to vector<16xf32>
    tpu.vector_store %arg13[%swap3A_257], %swap3A_260 {strides = array<i32>} : memref<624xf32, #tpu.memory_space<vmem>>, vector<16xf32>,
    %broadcast_in_dim3A_261 = arith.constant 0.000000e+00 : f32
    %broadcast_in_dim3A_262 = vector.broadcast %broadcast_in_dim3A_261 : f32 to vector<16xf32>
    %swap3A_263 = arith.constant 560 : index
    %swap3A_264 = tpu.vector_load %arg13[%swap3A_263] {strides = array<i32>} : memref<624xf32, #tpu.memory_space<vmem>>, vector<16xf32>,
    %swap3A_265 = vector.shape_cast %swap3A_264 : vector<16xf32> to vector<16xf32>
    %swap3A_266 = vector.shape_cast %broadcast_in_dim3A_262 : vector<16xf32> to vector<16xf32>
    tpu.vector_store %arg13[%swap3A_263], %swap3A_266 {strides = array<i32>} : memref<624xf32, #tpu.memory_space<vmem>>, vector<16xf32>,
    %broadcast_in_dim3A_267 = arith.constant 0.000000e+00 : f32
    %broadcast_in_dim3A_268 = vector.broadcast %broadcast_in_dim3A_267 : f32 to vector<16xf32>
    %swap3A_269 = arith.constant 576 : index
    %swap3A_270 = tpu.vector_load %arg13[%swap3A_269] {strides = array<i32>} : memref<624xf32, #tpu.memory_space<vmem>>, vector<16xf32>,
    %swap3A_271 = vector.shape_cast %swap3A_270 : vector<16xf32> to vector<16xf32>
    %swap3A_272 = vector.shape_cast %broadcast_in_dim3A_268 : vector<16xf32> to vector<16xf32>
    tpu.vector_store %arg13[%swap3A_269], %swap3A_272 {strides = array<i32>} : memref<624xf32, #tpu.memory_space<vmem>>, vector<16xf32>,
    %broadcast_in_dim3A_273 = arith.constant 0.000000e+00 : f32
    %broadcast_in_dim3A_274 = vector.broadcast %broadcast_in_dim3A_273 : f32 to vector<16xf32>
    %swap3A_275 = arith.constant 592 : index
    %swap3A_276 = tpu.vector_load %arg13[%swap3A_275] {strides = array<i32>} : memref<624xf32, #tpu.memory_space<vmem>>, vector<16xf32>,
    %swap3A_277 = vector.shape_cast %swap3A_276 : vector<16xf32> to vector<16xf32>
    %swap3A_278 = vector.shape_cast %broadcast_in_dim3A_274 : vector<16xf32> to vector<16xf32>
    tpu.vector_store %arg13[%swap3A_275], %swap3A_278 {strides = array<i32>} : memref<624xf32, #tpu.memory_space<vmem>>, vector<16xf32>,
    %broadcast_in_dim3A_279 = arith.constant 0.000000e+00 : f32
    %broadcast_in_dim3A_280 = vector.broadcast %broadcast_in_dim3A_279 : f32 to vector<16xf32>
    %swap3A_281 = arith.constant 608 : index
    %swap3A_282 = tpu.vector_load %arg13[%swap3A_281] {strides = array<i32>} : memref<624xf32, #tpu.memory_space<vmem>>, vector<16xf32>,
    %swap3A_283 = vector.shape_cast %swap3A_282 : vector<16xf32> to vector<16xf32>
    %swap3A_284 = vector.shape_cast %broadcast_in_dim3A_280 : vector<16xf32> to vector<16xf32>
    tpu.vector_store %arg13[%swap3A_281], %swap3A_284 {strides = array<i32>} : memref<624xf32, #tpu.memory_space<vmem>>, vector<16xf32>,
    %mul3A_285 = arith.constant 624 : i32
    %mul3A_286 = arith.muli %arg1, %mul3A_285 : i32
    "tpu.region"() ({
      %run_scoped3A = tpu.sem_alloc : memref<!tpu.dma_semaphore, #tpu.memory_space<semaphore_mem>>
      %dma_start3A = arith.constant 0 : i32
      %dma_start3A_317 = tpu.memref_slice %arg13[%dma_start3A] : memref<624xf32, #tpu.memory_space<vmem>> -> memref<624xf32, #tpu.memory_space<vmem>>
      %dma_start3A_318 = tpu.memref_slice %arg14[%mul3A_286] : memref<10016xf32, #tpu.memory_space<vmem_shared>> -> memref<624xf32, #tpu.memory_space<vmem_shared>>
      %dma_start3A_319 = tpu.memref_slice %arg14[%mul3A_286] : memref<10016xf32, #tpu.memory_space<vmem_shared>> -> memref<624xf32, #tpu.memory_space<vmem_shared>>
      %dma_start3A_320 = arith.constant 0 : i32
      %dma_start3A_321 = tpu.memref_slice %arg13[%dma_start3A_320] : memref<624xf32, #tpu.memory_space<vmem>> -> memref<624xf32, #tpu.memory_space<vmem>>
      tpu.enqueue_dma source(%dma_start3A_321 : memref<624xf32, #tpu.memory_space<vmem>>) target(%dma_start3A_319 : memref<624xf32, #tpu.memory_space<vmem_shared>>) target_semaphore(%run_scoped3A : memref<!tpu.dma_semaphore, #tpu.memory_space<semaphore_mem>>)
      %dma_wait3A = arith.constant 0 : i32
      %dma_wait3A_322 = tpu.memref_slice %arg13[%dma_wait3A] : memref<624xf32, #tpu.memory_space<vmem>> -> memref<624xf32, #tpu.memory_space<vmem>>
      %dma_wait3A_323 = tpu.memref_slice %arg14[%mul3A_286] : memref<10016xf32, #tpu.memory_space<vmem_shared>> -> memref<624xf32, #tpu.memory_space<vmem_shared>>
      %dma_wait3A_324 = tpu.memref_slice %arg14[%mul3A_286] : memref<10016xf32, #tpu.memory_space<vmem_shared>> -> memref<624xf32, #tpu.memory_space<vmem_shared>>
      %dma_wait3A_325 = arith.constant 0 : i32
      %dma_wait3A_326 = tpu.memref_slice %arg13[%dma_wait3A_325] : memref<624xf32, #tpu.memory_space<vmem>> -> memref<624xf32, #tpu.memory_space<vmem>>
      tpu.wait_dma2 semaphore(%run_scoped3A : memref<!tpu.dma_semaphore, #tpu.memory_space<semaphore_mem>>) src(%dma_wait3A_326 : memref<624xf32, #tpu.memory_space<vmem>>) dst(%dma_wait3A_324 : memref<624xf32, #tpu.memory_space<vmem_shared>>)
      tpu.yield
    }) : () -> ()
    "tpu.region"() ({
      %run_scoped3A = tpu.sem_alloc : memref<!tpu.dma_semaphore, #tpu.memory_space<semaphore_mem>>
      %dma_start3A = arith.constant 0 : i32
      %dma_start3A_317 = tpu.memref_slice %arg13[%dma_start3A] : memref<624xf32, #tpu.memory_space<vmem>> -> memref<624xf32, #tpu.memory_space<vmem>>
      %dma_start3A_318 = tpu.memref_slice %arg15[%mul3A_286] : memref<10016xf32, #tpu.memory_space<vmem_shared>> -> memref<624xf32, #tpu.memory_space<vmem_shared>>
      %dma_start3A_319 = tpu.memref_slice %arg15[%mul3A_286] : memref<10016xf32, #tpu.memory_space<vmem_shared>> -> memref<624xf32, #tpu.memory_space<vmem_shared>>
      %dma_start3A_320 = arith.constant 0 : i32
      %dma_start3A_321 = tpu.memref_slice %arg13[%dma_start3A_320] : memref<624xf32, #tpu.memory_space<vmem>> -> memref<624xf32, #tpu.memory_space<vmem>>
      tpu.enqueue_dma source(%dma_start3A_321 : memref<624xf32, #tpu.memory_space<vmem>>) target(%dma_start3A_319 : memref<624xf32, #tpu.memory_space<vmem_shared>>) target_semaphore(%run_scoped3A : memref<!tpu.dma_semaphore, #tpu.memory_space<semaphore_mem>>)
      %dma_wait3A = arith.constant 0 : i32
      %dma_wait3A_322 = tpu.memref_slice %arg13[%dma_wait3A] : memref<624xf32, #tpu.memory_space<vmem>> -> memref<624xf32, #tpu.memory_space<vmem>>
      %dma_wait3A_323 = tpu.memref_slice %arg15[%mul3A_286] : memref<10016xf32, #tpu.memory_space<vmem_shared>> -> memref<624xf32, #tpu.memory_space<vmem_shared>>
      %dma_wait3A_324 = tpu.memref_slice %arg15[%mul3A_286] : memref<10016xf32, #tpu.memory_space<vmem_shared>> -> memref<624xf32, #tpu.memory_space<vmem_shared>>
      %dma_wait3A_325 = arith.constant 0 : i32
      %dma_wait3A_326 = tpu.memref_slice %arg13[%dma_wait3A_325] : memref<624xf32, #tpu.memory_space<vmem>> -> memref<624xf32, #tpu.memory_space<vmem>>
      tpu.wait_dma2 semaphore(%run_scoped3A : memref<!tpu.dma_semaphore, #tpu.memory_space<semaphore_mem>>) src(%dma_wait3A_326 : memref<624xf32, #tpu.memory_space<vmem>>) dst(%dma_wait3A_324 : memref<624xf32, #tpu.memory_space<vmem_shared>>)
      tpu.yield
    }) : () -> ()
    %eq3A = arith.constant 15 : i32
    %eq3A_287 = arith.cmpi eq, %arg1, %eq3A : i32
    %convert_element_type3A = arith.extui %eq3A_287 : i1 to i32
    %cond3A = arith.constant 0 : i32
    %cond3A_288 = arith.cmpi ne, %convert_element_type3A, %cond3A : i32
    scf.if %cond3A_288 {
      "tpu.region"() ({
        %run_scoped3A = tpu.sem_alloc : memref<!tpu.dma_semaphore, #tpu.memory_space<semaphore_mem>>
        %dma_start3A = arith.constant 0 : i32
        %dma_start3A_317 = tpu.memref_slice %arg13[%dma_start3A] : memref<624xf32, #tpu.memory_space<vmem>> -> memref<16xf32, #tpu.memory_space<vmem>>
        %dma_start3A_318 = arith.constant 9984 : i32
        %dma_start3A_319 = tpu.memref_slice %arg14[%dma_start3A_318] : memref<10016xf32, #tpu.memory_space<vmem_shared>> -> memref<16xf32, #tpu.memory_space<vmem_shared>>
        %dma_start3A_320 = arith.constant 9984 : i32
        %dma_start3A_321 = tpu.memref_slice %arg14[%dma_start3A_320] : memref<10016xf32, #tpu.memory_space<vmem_shared>> -> memref<16xf32, #tpu.memory_space<vmem_shared>>
        %dma_start3A_322 = arith.constant 0 : i32
        %dma_start3A_323 = tpu.memref_slice %arg13[%dma_start3A_322] : memref<624xf32, #tpu.memory_space<vmem>> -> memref<16xf32, #tpu.memory_space<vmem>>
        tpu.enqueue_dma source(%dma_start3A_323 : memref<16xf32, #tpu.memory_space<vmem>>) target(%dma_start3A_321 : memref<16xf32, #tpu.memory_space<vmem_shared>>) target_semaphore(%run_scoped3A : memref<!tpu.dma_semaphore, #tpu.memory_space<semaphore_mem>>)
        %dma_wait3A = arith.constant 0 : i32
        %dma_wait3A_324 = tpu.memref_slice %arg13[%dma_wait3A] : memref<624xf32, #tpu.memory_space<vmem>> -> memref<16xf32, #tpu.memory_space<vmem>>
        %dma_wait3A_325 = arith.constant 9984 : i32
        %dma_wait3A_326 = tpu.memref_slice %arg14[%dma_wait3A_325] : memref<10016xf32, #tpu.memory_space<vmem_shared>> -> memref<16xf32, #tpu.memory_space<vmem_shared>>
        %dma_wait3A_327 = arith.constant 9984 : i32
        %dma_wait3A_328 = tpu.memref_slice %arg14[%dma_wait3A_327] : memref<10016xf32, #tpu.memory_space<vmem_shared>> -> memref<16xf32, #tpu.memory_space<vmem_shared>>
        %dma_wait3A_329 = arith.constant 0 : i32
        %dma_wait3A_330 = tpu.memref_slice %arg13[%dma_wait3A_329] : memref<624xf32, #tpu.memory_space<vmem>> -> memref<16xf32, #tpu.memory_space<vmem>>
        tpu.wait_dma2 semaphore(%run_scoped3A : memref<!tpu.dma_semaphore, #tpu.memory_space<semaphore_mem>>) src(%dma_wait3A_330 : memref<16xf32, #tpu.memory_space<vmem>>) dst(%dma_wait3A_328 : memref<16xf32, #tpu.memory_space<vmem_shared>>)
        tpu.yield
      }) : () -> ()
      "tpu.region"() ({
        %run_scoped3A = tpu.sem_alloc : memref<!tpu.dma_semaphore, #tpu.memory_space<semaphore_mem>>
        %dma_start3A = arith.constant 0 : i32
        %dma_start3A_317 = tpu.memref_slice %arg13[%dma_start3A] : memref<624xf32, #tpu.memory_space<vmem>> -> memref<16xf32, #tpu.memory_space<vmem>>
        %dma_start3A_318 = arith.constant 9984 : i32
        %dma_start3A_319 = tpu.memref_slice %arg15[%dma_start3A_318] : memref<10016xf32, #tpu.memory_space<vmem_shared>> -> memref<16xf32, #tpu.memory_space<vmem_shared>>
        %dma_start3A_320 = arith.constant 9984 : i32
        %dma_start3A_321 = tpu.memref_slice %arg15[%dma_start3A_320] : memref<10016xf32, #tpu.memory_space<vmem_shared>> -> memref<16xf32, #tpu.memory_space<vmem_shared>>
        %dma_start3A_322 = arith.constant 0 : i32
        %dma_start3A_323 = tpu.memref_slice %arg13[%dma_start3A_322] : memref<624xf32, #tpu.memory_space<vmem>> -> memref<16xf32, #tpu.memory_space<vmem>>
        tpu.enqueue_dma source(%dma_start3A_323 : memref<16xf32, #tpu.memory_space<vmem>>) target(%dma_start3A_321 : memref<16xf32, #tpu.memory_space<vmem_shared>>) target_semaphore(%run_scoped3A : memref<!tpu.dma_semaphore, #tpu.memory_space<semaphore_mem>>)
        %dma_wait3A = arith.constant 0 : i32
        %dma_wait3A_324 = tpu.memref_slice %arg13[%dma_wait3A] : memref<624xf32, #tpu.memory_space<vmem>> -> memref<16xf32, #tpu.memory_space<vmem>>
        %dma_wait3A_325 = arith.constant 9984 : i32
        %dma_wait3A_326 = tpu.memref_slice %arg15[%dma_wait3A_325] : memref<10016xf32, #tpu.memory_space<vmem_shared>> -> memref<16xf32, #tpu.memory_space<vmem_shared>>
        %dma_wait3A_327 = arith.constant 9984 : i32
        %dma_wait3A_328 = tpu.memref_slice %arg15[%dma_wait3A_327] : memref<10016xf32, #tpu.memory_space<vmem_shared>> -> memref<16xf32, #tpu.memory_space<vmem_shared>>
        %dma_wait3A_329 = arith.constant 0 : i32
        %dma_wait3A_330 = tpu.memref_slice %arg13[%dma_wait3A_329] : memref<624xf32, #tpu.memory_space<vmem>> -> memref<16xf32, #tpu.memory_space<vmem>>
        tpu.wait_dma2 semaphore(%run_scoped3A : memref<!tpu.dma_semaphore, #tpu.memory_space<semaphore_mem>>) src(%dma_wait3A_330 : memref<16xf32, #tpu.memory_space<vmem>>) dst(%dma_wait3A_328 : memref<16xf32, #tpu.memory_space<vmem_shared>>)
        tpu.yield
      }) : () -> ()
    } else {
    }
    %eq3A_289 = arith.constant 0 : i32
    %eq3A_290 = arith.cmpi eq, %arg1, %eq3A_289 : i32
    %convert_element_type3A_291 = arith.extui %eq3A_290 : i1 to i32
    %cond3A_292 = arith.constant 0 : i32
    %cond3A_293 = arith.cmpi ne, %convert_element_type3A_291, %cond3A_292 : i32
    scf.if %cond3A_293 {
      "tpu.region"() ({
        %run_scoped3A = tpu.sem_alloc : memref<!tpu.dma_semaphore, #tpu.memory_space<semaphore_mem>>
        %dma_start3A = arith.constant 0 : i32
        %dma_start3A_317 = tpu.memref_slice %arg13[%dma_start3A] : memref<624xf32, #tpu.memory_space<vmem>> -> memref<16xf32, #tpu.memory_space<vmem>>
        %dma_start3A_318 = arith.constant 10000 : i32
        %dma_start3A_319 = tpu.memref_slice %arg14[%dma_start3A_318] : memref<10016xf32, #tpu.memory_space<vmem_shared>> -> memref<16xf32, #tpu.memory_space<vmem_shared>>
        %dma_start3A_320 = arith.constant 10000 : i32
        %dma_start3A_321 = tpu.memref_slice %arg14[%dma_start3A_320] : memref<10016xf32, #tpu.memory_space<vmem_shared>> -> memref<16xf32, #tpu.memory_space<vmem_shared>>
        %dma_start3A_322 = arith.constant 0 : i32
        %dma_start3A_323 = tpu.memref_slice %arg13[%dma_start3A_322] : memref<624xf32, #tpu.memory_space<vmem>> -> memref<16xf32, #tpu.memory_space<vmem>>
        tpu.enqueue_dma source(%dma_start3A_323 : memref<16xf32, #tpu.memory_space<vmem>>) target(%dma_start3A_321 : memref<16xf32, #tpu.memory_space<vmem_shared>>) target_semaphore(%run_scoped3A : memref<!tpu.dma_semaphore, #tpu.memory_space<semaphore_mem>>)
        %dma_wait3A = arith.constant 0 : i32
        %dma_wait3A_324 = tpu.memref_slice %arg13[%dma_wait3A] : memref<624xf32, #tpu.memory_space<vmem>> -> memref<16xf32, #tpu.memory_space<vmem>>
        %dma_wait3A_325 = arith.constant 10000 : i32
        %dma_wait3A_326 = tpu.memref_slice %arg14[%dma_wait3A_325] : memref<10016xf32, #tpu.memory_space<vmem_shared>> -> memref<16xf32, #tpu.memory_space<vmem_shared>>
        %dma_wait3A_327 = arith.constant 10000 : i32
        %dma_wait3A_328 = tpu.memref_slice %arg14[%dma_wait3A_327] : memref<10016xf32, #tpu.memory_space<vmem_shared>> -> memref<16xf32, #tpu.memory_space<vmem_shared>>
        %dma_wait3A_329 = arith.constant 0 : i32
        %dma_wait3A_330 = tpu.memref_slice %arg13[%dma_wait3A_329] : memref<624xf32, #tpu.memory_space<vmem>> -> memref<16xf32, #tpu.memory_space<vmem>>
        tpu.wait_dma2 semaphore(%run_scoped3A : memref<!tpu.dma_semaphore, #tpu.memory_space<semaphore_mem>>) src(%dma_wait3A_330 : memref<16xf32, #tpu.memory_space<vmem>>) dst(%dma_wait3A_328 : memref<16xf32, #tpu.memory_space<vmem_shared>>)
        tpu.yield
      }) : () -> ()
      "tpu.region"() ({
        %run_scoped3A = tpu.sem_alloc : memref<!tpu.dma_semaphore, #tpu.memory_space<semaphore_mem>>
        %dma_start3A = arith.constant 0 : i32
        %dma_start3A_317 = tpu.memref_slice %arg13[%dma_start3A] : memref<624xf32, #tpu.memory_space<vmem>> -> memref<16xf32, #tpu.memory_space<vmem>>
        %dma_start3A_318 = arith.constant 10000 : i32
        %dma_start3A_319 = tpu.memref_slice %arg15[%dma_start3A_318] : memref<10016xf32, #tpu.memory_space<vmem_shared>> -> memref<16xf32, #tpu.memory_space<vmem_shared>>
        %dma_start3A_320 = arith.constant 10000 : i32
        %dma_start3A_321 = tpu.memref_slice %arg15[%dma_start3A_320] : memref<10016xf32, #tpu.memory_space<vmem_shared>> -> memref<16xf32, #tpu.memory_space<vmem_shared>>
        %dma_start3A_322 = arith.constant 0 : i32
        %dma_start3A_323 = tpu.memref_slice %arg13[%dma_start3A_322] : memref<624xf32, #tpu.memory_space<vmem>> -> memref<16xf32, #tpu.memory_space<vmem>>
        tpu.enqueue_dma source(%dma_start3A_323 : memref<16xf32, #tpu.memory_space<vmem>>) target(%dma_start3A_321 : memref<16xf32, #tpu.memory_space<vmem_shared>>) target_semaphore(%run_scoped3A : memref<!tpu.dma_semaphore, #tpu.memory_space<semaphore_mem>>)
        %dma_wait3A = arith.constant 0 : i32
        %dma_wait3A_324 = tpu.memref_slice %arg13[%dma_wait3A] : memref<624xf32, #tpu.memory_space<vmem>> -> memref<16xf32, #tpu.memory_space<vmem>>
        %dma_wait3A_325 = arith.constant 10000 : i32
        %dma_wait3A_326 = tpu.memref_slice %arg15[%dma_wait3A_325] : memref<10016xf32, #tpu.memory_space<vmem_shared>> -> memref<16xf32, #tpu.memory_space<vmem_shared>>
        %dma_wait3A_327 = arith.constant 10000 : i32
        %dma_wait3A_328 = tpu.memref_slice %arg15[%dma_wait3A_327] : memref<10016xf32, #tpu.memory_space<vmem_shared>> -> memref<16xf32, #tpu.memory_space<vmem_shared>>
        %dma_wait3A_329 = arith.constant 0 : i32
        %dma_wait3A_330 = tpu.memref_slice %arg13[%dma_wait3A_329] : memref<624xf32, #tpu.memory_space<vmem>> -> memref<16xf32, #tpu.memory_space<vmem>>
        tpu.wait_dma2 semaphore(%run_scoped3A : memref<!tpu.dma_semaphore, #tpu.memory_space<semaphore_mem>>) src(%dma_wait3A_330 : memref<16xf32, #tpu.memory_space<vmem>>) dst(%dma_wait3A_328 : memref<16xf32, #tpu.memory_space<vmem_shared>>)
        tpu.yield
      }) : () -> ()
    } else {
    }
    %barrier3A = arith.constant 0 : index
    tpu.barrier barrier_id(%barrier3A)
    %scan3A = arith.constant 0 : i32
    %scan3A_294 = arith.constant 0 : i32
    %scan3A_295 = arith.constant 80 : i32
    %scan3A_296 = arith.addi %scan3A_294, %scan3A_295 : i32
    %scan3A_297 = arith.constant 1 : i32
    scf.for %scan3A_317 = %scan3A_294 to %scan3A_296 step %scan3A_297  : i32 {
      %mul3A_318 = arith.constant 128 : i32
      %mul3A_319 = arith.muli %scan3A_317, %mul3A_318 : i32
      %add3A_320 = arith.constant 0 : i32
      %add3A_321 = arith.addi %mul3A_319, %add3A_320 : i32
      %get3A = arith.index_cast %add3A_321 : i32 to index
      %get3A_322 = tpu.vector_load %arg8[%get3A] {strides = array<i32>} : memref<10240xi32, #tpu.memory_space<vmem>>, vector<16xi32>,
      %get3A_323 = vector.shape_cast %get3A_322 : vector<16xi32> to vector<16xi32>
      %swap3A_324 = arith.constant 0 : index
      %swap3A_325 = tpu.vector_load %arg10[%swap3A_324] {strides = array<i32>} : memref<128xi32, #tpu.memory_space<vmem>>, vector<16xi32>,
      %swap3A_326 = vector.shape_cast %swap3A_325 : vector<16xi32> to vector<16xi32>
      %swap3A_327 = vector.shape_cast %get3A_323 : vector<16xi32> to vector<16xi32>
      tpu.vector_store %arg10[%swap3A_324], %swap3A_327 {strides = array<i32>} : memref<128xi32, #tpu.memory_space<vmem>>, vector<16xi32>,
      %add3A_328 = arith.constant 16 : i32
      %add3A_329 = arith.addi %mul3A_319, %add3A_328 : i32
      %get3A_330 = arith.index_cast %add3A_329 : i32 to index
      %get3A_331 = tpu.vector_load %arg8[%get3A_330] {strides = array<i32>} : memref<10240xi32, #tpu.memory_space<vmem>>, vector<16xi32>,
      %get3A_332 = vector.shape_cast %get3A_331 : vector<16xi32> to vector<16xi32>
      %swap3A_333 = arith.constant 16 : index
      %swap3A_334 = tpu.vector_load %arg10[%swap3A_333] {strides = array<i32>} : memref<128xi32, #tpu.memory_space<vmem>>, vector<16xi32>,
      %swap3A_335 = vector.shape_cast %swap3A_334 : vector<16xi32> to vector<16xi32>
      %swap3A_336 = vector.shape_cast %get3A_332 : vector<16xi32> to vector<16xi32>
      tpu.vector_store %arg10[%swap3A_333], %swap3A_336 {strides = array<i32>} : memref<128xi32, #tpu.memory_space<vmem>>, vector<16xi32>,
      %add3A_337 = arith.constant 32 : i32
      %add3A_338 = arith.addi %mul3A_319, %add3A_337 : i32
      %get3A_339 = arith.index_cast %add3A_338 : i32 to index
      %get3A_340 = tpu.vector_load %arg8[%get3A_339] {strides = array<i32>} : memref<10240xi32, #tpu.memory_space<vmem>>, vector<16xi32>,
      %get3A_341 = vector.shape_cast %get3A_340 : vector<16xi32> to vector<16xi32>
      %swap3A_342 = arith.constant 32 : index
      %swap3A_343 = tpu.vector_load %arg10[%swap3A_342] {strides = array<i32>} : memref<128xi32, #tpu.memory_space<vmem>>, vector<16xi32>,
      %swap3A_344 = vector.shape_cast %swap3A_343 : vector<16xi32> to vector<16xi32>
      %swap3A_345 = vector.shape_cast %get3A_341 : vector<16xi32> to vector<16xi32>
      tpu.vector_store %arg10[%swap3A_342], %swap3A_345 {strides = array<i32>} : memref<128xi32, #tpu.memory_space<vmem>>, vector<16xi32>,
      %add3A_346 = arith.constant 48 : i32
      %add3A_347 = arith.addi %mul3A_319, %add3A_346 : i32
      %get3A_348 = arith.index_cast %add3A_347 : i32 to index
      %get3A_349 = tpu.vector_load %arg8[%get3A_348] {strides = array<i32>} : memref<10240xi32, #tpu.memory_space<vmem>>, vector<16xi32>,
      %get3A_350 = vector.shape_cast %get3A_349 : vector<16xi32> to vector<16xi32>
      %swap3A_351 = arith.constant 48 : index
      %swap3A_352 = tpu.vector_load %arg10[%swap3A_351] {strides = array<i32>} : memref<128xi32, #tpu.memory_space<vmem>>, vector<16xi32>,
      %swap3A_353 = vector.shape_cast %swap3A_352 : vector<16xi32> to vector<16xi32>
      %swap3A_354 = vector.shape_cast %get3A_350 : vector<16xi32> to vector<16xi32>
      tpu.vector_store %arg10[%swap3A_351], %swap3A_354 {strides = array<i32>} : memref<128xi32, #tpu.memory_space<vmem>>, vector<16xi32>,
      %add3A_355 = arith.constant 64 : i32
      %add3A_356 = arith.addi %mul3A_319, %add3A_355 : i32
      %get3A_357 = arith.index_cast %add3A_356 : i32 to index
      %get3A_358 = tpu.vector_load %arg8[%get3A_357] {strides = array<i32>} : memref<10240xi32, #tpu.memory_space<vmem>>, vector<16xi32>,
      %get3A_359 = vector.shape_cast %get3A_358 : vector<16xi32> to vector<16xi32>
      %swap3A_360 = arith.constant 64 : index
      %swap3A_361 = tpu.vector_load %arg10[%swap3A_360] {strides = array<i32>} : memref<128xi32, #tpu.memory_space<vmem>>, vector<16xi32>,
      %swap3A_362 = vector.shape_cast %swap3A_361 : vector<16xi32> to vector<16xi32>
      %swap3A_363 = vector.shape_cast %get3A_359 : vector<16xi32> to vector<16xi32>
      tpu.vector_store %arg10[%swap3A_360], %swap3A_363 {strides = array<i32>} : memref<128xi32, #tpu.memory_space<vmem>>, vector<16xi32>,
      %add3A_364 = arith.constant 80 : i32
      %add3A_365 = arith.addi %mul3A_319, %add3A_364 : i32
      %get3A_366 = arith.index_cast %add3A_365 : i32 to index
      %get3A_367 = tpu.vector_load %arg8[%get3A_366] {strides = array<i32>} : memref<10240xi32, #tpu.memory_space<vmem>>, vector<16xi32>,
      %get3A_368 = vector.shape_cast %get3A_367 : vector<16xi32> to vector<16xi32>
      %swap3A_369 = arith.constant 80 : index
      %swap3A_370 = tpu.vector_load %arg10[%swap3A_369] {strides = array<i32>} : memref<128xi32, #tpu.memory_space<vmem>>, vector<16xi32>,
      %swap3A_371 = vector.shape_cast %swap3A_370 : vector<16xi32> to vector<16xi32>
      %swap3A_372 = vector.shape_cast %get3A_368 : vector<16xi32> to vector<16xi32>
      tpu.vector_store %arg10[%swap3A_369], %swap3A_372 {strides = array<i32>} : memref<128xi32, #tpu.memory_space<vmem>>, vector<16xi32>,
      %add3A_373 = arith.constant 96 : i32
      %add3A_374 = arith.addi %mul3A_319, %add3A_373 : i32
      %get3A_375 = arith.index_cast %add3A_374 : i32 to index
      %get3A_376 = tpu.vector_load %arg8[%get3A_375] {strides = array<i32>} : memref<10240xi32, #tpu.memory_space<vmem>>, vector<16xi32>,
      %get3A_377 = vector.shape_cast %get3A_376 : vector<16xi32> to vector<16xi32>
      %swap3A_378 = arith.constant 96 : index
      %swap3A_379 = tpu.vector_load %arg10[%swap3A_378] {strides = array<i32>} : memref<128xi32, #tpu.memory_space<vmem>>, vector<16xi32>,
      %swap3A_380 = vector.shape_cast %swap3A_379 : vector<16xi32> to vector<16xi32>
      %swap3A_381 = vector.shape_cast %get3A_377 : vector<16xi32> to vector<16xi32>
      tpu.vector_store %arg10[%swap3A_378], %swap3A_381 {strides = array<i32>} : memref<128xi32, #tpu.memory_space<vmem>>, vector<16xi32>,
      %add3A_382 = arith.constant 112 : i32
      %add3A_383 = arith.addi %mul3A_319, %add3A_382 : i32
      %get3A_384 = arith.index_cast %add3A_383 : i32 to index
      %get3A_385 = tpu.vector_load %arg8[%get3A_384] {strides = array<i32>} : memref<10240xi32, #tpu.memory_space<vmem>>, vector<16xi32>,
      %get3A_386 = vector.shape_cast %get3A_385 : vector<16xi32> to vector<16xi32>
      %swap3A_387 = arith.constant 112 : index
      %swap3A_388 = tpu.vector_load %arg10[%swap3A_387] {strides = array<i32>} : memref<128xi32, #tpu.memory_space<vmem>>, vector<16xi32>,
      %swap3A_389 = vector.shape_cast %swap3A_388 : vector<16xi32> to vector<16xi32>
      %swap3A_390 = vector.shape_cast %get3A_386 : vector<16xi32> to vector<16xi32>
      tpu.vector_store %arg10[%swap3A_387], %swap3A_390 {strides = array<i32>} : memref<128xi32, #tpu.memory_space<vmem>>, vector<16xi32>,
      %mul3A_391 = arith.constant 128 : i32
      %mul3A_392 = arith.muli %scan3A_317, %mul3A_391 : i32
      %add3A_393 = arith.constant 0 : i32
      %add3A_394 = arith.addi %mul3A_392, %add3A_393 : i32
      %get3A_395 = arith.index_cast %add3A_394 : i32 to index
      %get3A_396 = tpu.vector_load %arg9[%get3A_395] {strides = array<i32>} : memref<10240xi32, #tpu.memory_space<vmem>>, vector<16xi32>,
      %get3A_397 = vector.shape_cast %get3A_396 : vector<16xi32> to vector<16xi32>
      %swap3A_398 = arith.constant 0 : index
      %swap3A_399 = tpu.vector_load %arg11[%swap3A_398] {strides = array<i32>} : memref<128xi32, #tpu.memory_space<vmem>>, vector<16xi32>,
      %swap3A_400 = vector.shape_cast %swap3A_399 : vector<16xi32> to vector<16xi32>
      %swap3A_401 = vector.shape_cast %get3A_397 : vector<16xi32> to vector<16xi32>
      tpu.vector_store %arg11[%swap3A_398], %swap3A_401 {strides = array<i32>} : memref<128xi32, #tpu.memory_space<vmem>>, vector<16xi32>,
      %add3A_402 = arith.constant 16 : i32
      %add3A_403 = arith.addi %mul3A_392, %add3A_402 : i32
      %get3A_404 = arith.index_cast %add3A_403 : i32 to index
      %get3A_405 = tpu.vector_load %arg9[%get3A_404] {strides = array<i32>} : memref<10240xi32, #tpu.memory_space<vmem>>, vector<16xi32>,
      %get3A_406 = vector.shape_cast %get3A_405 : vector<16xi32> to vector<16xi32>
      %swap3A_407 = arith.constant 16 : index
      %swap3A_408 = tpu.vector_load %arg11[%swap3A_407] {strides = array<i32>} : memref<128xi32, #tpu.memory_space<vmem>>, vector<16xi32>,
      %swap3A_409 = vector.shape_cast %swap3A_408 : vector<16xi32> to vector<16xi32>
      %swap3A_410 = vector.shape_cast %get3A_406 : vector<16xi32> to vector<16xi32>
      tpu.vector_store %arg11[%swap3A_407], %swap3A_410 {strides = array<i32>} : memref<128xi32, #tpu.memory_space<vmem>>, vector<16xi32>,
      %add3A_411 = arith.constant 32 : i32
      %add3A_412 = arith.addi %mul3A_392, %add3A_411 : i32
      %get3A_413 = arith.index_cast %add3A_412 : i32 to index
      %get3A_414 = tpu.vector_load %arg9[%get3A_413] {strides = array<i32>} : memref<10240xi32, #tpu.memory_space<vmem>>, vector<16xi32>,
      %get3A_415 = vector.shape_cast %get3A_414 : vector<16xi32> to vector<16xi32>
      %swap3A_416 = arith.constant 32 : index
      %swap3A_417 = tpu.vector_load %arg11[%swap3A_416] {strides = array<i32>} : memref<128xi32, #tpu.memory_space<vmem>>, vector<16xi32>,
      %swap3A_418 = vector.shape_cast %swap3A_417 : vector<16xi32> to vector<16xi32>
      %swap3A_419 = vector.shape_cast %get3A_415 : vector<16xi32> to vector<16xi32>
      tpu.vector_store %arg11[%swap3A_416], %swap3A_419 {strides = array<i32>} : memref<128xi32, #tpu.memory_space<vmem>>, vector<16xi32>,
      %add3A_420 = arith.constant 48 : i32
      %add3A_421 = arith.addi %mul3A_392, %add3A_420 : i32
      %get3A_422 = arith.index_cast %add3A_421 : i32 to index
      %get3A_423 = tpu.vector_load %arg9[%get3A_422] {strides = array<i32>} : memref<10240xi32, #tpu.memory_space<vmem>>, vector<16xi32>,
      %get3A_424 = vector.shape_cast %get3A_423 : vector<16xi32> to vector<16xi32>
      %swap3A_425 = arith.constant 48 : index
      %swap3A_426 = tpu.vector_load %arg11[%swap3A_425] {strides = array<i32>} : memref<128xi32, #tpu.memory_space<vmem>>, vector<16xi32>,
      %swap3A_427 = vector.shape_cast %swap3A_426 : vector<16xi32> to vector<16xi32>
      %swap3A_428 = vector.shape_cast %get3A_424 : vector<16xi32> to vector<16xi32>
      tpu.vector_store %arg11[%swap3A_425], %swap3A_428 {strides = array<i32>} : memref<128xi32, #tpu.memory_space<vmem>>, vector<16xi32>,
      %add3A_429 = arith.constant 64 : i32
      %add3A_430 = arith.addi %mul3A_392, %add3A_429 : i32
      %get3A_431 = arith.index_cast %add3A_430 : i32 to index
      %get3A_432 = tpu.vector_load %arg9[%get3A_431] {strides = array<i32>} : memref<10240xi32, #tpu.memory_space<vmem>>, vector<16xi32>,
      %get3A_433 = vector.shape_cast %get3A_432 : vector<16xi32> to vector<16xi32>
      %swap3A_434 = arith.constant 64 : index
      %swap3A_435 = tpu.vector_load %arg11[%swap3A_434] {strides = array<i32>} : memref<128xi32, #tpu.memory_space<vmem>>, vector<16xi32>,
      %swap3A_436 = vector.shape_cast %swap3A_435 : vector<16xi32> to vector<16xi32>
      %swap3A_437 = vector.shape_cast %get3A_433 : vector<16xi32> to vector<16xi32>
      tpu.vector_store %arg11[%swap3A_434], %swap3A_437 {strides = array<i32>} : memref<128xi32, #tpu.memory_space<vmem>>, vector<16xi32>,
      %add3A_438 = arith.constant 80 : i32
      %add3A_439 = arith.addi %mul3A_392, %add3A_438 : i32
      %get3A_440 = arith.index_cast %add3A_439 : i32 to index
      %get3A_441 = tpu.vector_load %arg9[%get3A_440] {strides = array<i32>} : memref<10240xi32, #tpu.memory_space<vmem>>, vector<16xi32>,
      %get3A_442 = vector.shape_cast %get3A_441 : vector<16xi32> to vector<16xi32>
      %swap3A_443 = arith.constant 80 : index
      %swap3A_444 = tpu.vector_load %arg11[%swap3A_443] {strides = array<i32>} : memref<128xi32, #tpu.memory_space<vmem>>, vector<16xi32>,
      %swap3A_445 = vector.shape_cast %swap3A_444 : vector<16xi32> to vector<16xi32>
      %swap3A_446 = vector.shape_cast %get3A_442 : vector<16xi32> to vector<16xi32>
      tpu.vector_store %arg11[%swap3A_443], %swap3A_446 {strides = array<i32>} : memref<128xi32, #tpu.memory_space<vmem>>, vector<16xi32>,
      %add3A_447 = arith.constant 96 : i32
      %add3A_448 = arith.addi %mul3A_392, %add3A_447 : i32
      %get3A_449 = arith.index_cast %add3A_448 : i32 to index
      %get3A_450 = tpu.vector_load %arg9[%get3A_449] {strides = array<i32>} : memref<10240xi32, #tpu.memory_space<vmem>>, vector<16xi32>,
      %get3A_451 = vector.shape_cast %get3A_450 : vector<16xi32> to vector<16xi32>
      %swap3A_452 = arith.constant 96 : index
      %swap3A_453 = tpu.vector_load %arg11[%swap3A_452] {strides = array<i32>} : memref<128xi32, #tpu.memory_space<vmem>>, vector<16xi32>,
      %swap3A_454 = vector.shape_cast %swap3A_453 : vector<16xi32> to vector<16xi32>
      %swap3A_455 = vector.shape_cast %get3A_451 : vector<16xi32> to vector<16xi32>
      tpu.vector_store %arg11[%swap3A_452], %swap3A_455 {strides = array<i32>} : memref<128xi32, #tpu.memory_space<vmem>>, vector<16xi32>,
      %add3A_456 = arith.constant 112 : i32
      %add3A_457 = arith.addi %mul3A_392, %add3A_456 : i32
      %get3A_458 = arith.index_cast %add3A_457 : i32 to index
      %get3A_459 = tpu.vector_load %arg9[%get3A_458] {strides = array<i32>} : memref<10240xi32, #tpu.memory_space<vmem>>, vector<16xi32>,
      %get3A_460 = vector.shape_cast %get3A_459 : vector<16xi32> to vector<16xi32>
      %swap3A_461 = arith.constant 112 : index
      %swap3A_462 = tpu.vector_load %arg11[%swap3A_461] {strides = array<i32>} : memref<128xi32, #tpu.memory_space<vmem>>, vector<16xi32>,
      %swap3A_463 = vector.shape_cast %swap3A_462 : vector<16xi32> to vector<16xi32>
      %swap3A_464 = vector.shape_cast %get3A_460 : vector<16xi32> to vector<16xi32>
      tpu.vector_store %arg11[%swap3A_461], %swap3A_464 {strides = array<i32>} : memref<128xi32, #tpu.memory_space<vmem>>, vector<16xi32>,
      "tpu.region"() ({
        %run_scoped3A = tpu.sem_alloc : memref<!tpu.dma_semaphore, #tpu.memory_space<semaphore_mem>>
        %dma_start3A = arith.constant 0 : i32
        %dma_start3A_465 = tpu.memref_slice %arg14[%dma_start3A] : memref<10016xf32, #tpu.memory_space<vmem_shared>> -> memref<10016xf32, #tpu.memory_space<vmem_shared>>
        tpu.enqueue_indirect_dma source(%arg12 : memref<128xf32, #tpu.memory_space<vmem>>) target(%dma_start3A_465 : memref<10016xf32, #tpu.memory_space<vmem_shared>>) offsets(%arg10 : memref<128xi32, #tpu.memory_space<vmem>>) semaphore(%run_scoped3A : memref<!tpu.dma_semaphore, #tpu.memory_space<semaphore_mem>>) {add = true}
        %dma_wait3A = arith.constant 0 : i32
        %dma_wait3A_466 = tpu.memref_slice %arg14[%dma_wait3A] : memref<10016xf32, #tpu.memory_space<vmem_shared>> -> memref<10016xf32, #tpu.memory_space<vmem_shared>>
        tpu.wait_indirect_dma semaphore(%run_scoped3A : memref<!tpu.dma_semaphore, #tpu.memory_space<semaphore_mem>>) src(%arg12 : memref<128xf32, #tpu.memory_space<vmem>>) dst(%dma_wait3A_466 : memref<10016xf32, #tpu.memory_space<vmem_shared>>)
        tpu.yield
      }) : () -> ()
      "tpu.region"() ({
        %run_scoped3A = tpu.sem_alloc : memref<!tpu.dma_semaphore, #tpu.memory_space<semaphore_mem>>
        %dma_start3A = arith.constant 0 : i32
        %dma_start3A_465 = tpu.memref_slice %arg15[%dma_start3A] : memref<10016xf32, #tpu.memory_space<vmem_shared>> -> memref<10016xf32, #tpu.memory_space<vmem_shared>>
        tpu.enqueue_indirect_dma source(%arg12 : memref<128xf32, #tpu.memory_space<vmem>>) target(%dma_start3A_465 : memref<10016xf32, #tpu.memory_space<vmem_shared>>) offsets(%arg11 : memref<128xi32, #tpu.memory_space<vmem>>) semaphore(%run_scoped3A : memref<!tpu.dma_semaphore, #tpu.memory_space<semaphore_mem>>) {add = true}
        %dma_wait3A = arith.constant 0 : i32
        %dma_wait3A_466 = tpu.memref_slice %arg15[%dma_wait3A] : memref<10016xf32, #tpu.memory_space<vmem_shared>> -> memref<10016xf32, #tpu.memory_space<vmem_shared>>
        tpu.wait_indirect_dma semaphore(%run_scoped3A : memref<!tpu.dma_semaphore, #tpu.memory_space<semaphore_mem>>) src(%arg12 : memref<128xf32, #tpu.memory_space<vmem>>) dst(%dma_wait3A_466 : memref<10016xf32, #tpu.memory_space<vmem_shared>>)
        tpu.yield
      }) : () -> ()
    }
    %scan3A_298 = arith.constant 80 : i32
    %barrier3A_299 = arith.constant 0 : index
    tpu.barrier barrier_id(%barrier3A_299)
    %mul3A_300 = arith.constant 624 : i32
    %mul3A_301 = arith.muli %arg1, %mul3A_300 : i32
    %eq3A_302 = arith.constant 0 : i32
    %eq3A_303 = arith.cmpi eq, %arg0, %eq3A_302 : i32
    %convert_element_type3A_304 = arith.extui %eq3A_303 : i1 to i32
    %cond3A_305 = arith.constant 0 : i32
    %cond3A_306 = arith.cmpi ne, %convert_element_type3A_304, %cond3A_305 : i32
    scf.if %cond3A_306 {
      "tpu.region"() ({
        %run_scoped3A = tpu.sem_alloc : memref<!tpu.dma_semaphore, #tpu.memory_space<semaphore_mem>>
        %dma_start3A = arith.constant 0 : i32
        %dma_start3A_317 = tpu.memref_slice %arg13[%dma_start3A] : memref<624xf32, #tpu.memory_space<vmem>> -> memref<624xf32, #tpu.memory_space<vmem>>
        %dma_start3A_318 = tpu.memref_slice %arg14[%mul3A_301] : memref<10016xf32, #tpu.memory_space<vmem_shared>> -> memref<624xf32, #tpu.memory_space<vmem_shared>>
        %dma_start3A_319 = arith.constant 0 : i32
        %dma_start3A_320 = tpu.memref_slice %arg13[%dma_start3A_319] : memref<624xf32, #tpu.memory_space<vmem>> -> memref<624xf32, #tpu.memory_space<vmem>>
        %dma_start3A_321 = tpu.memref_slice %arg14[%mul3A_301] : memref<10016xf32, #tpu.memory_space<vmem_shared>> -> memref<624xf32, #tpu.memory_space<vmem_shared>>
        tpu.enqueue_dma source(%dma_start3A_321 : memref<624xf32, #tpu.memory_space<vmem_shared>>) target(%dma_start3A_320 : memref<624xf32, #tpu.memory_space<vmem>>) target_semaphore(%run_scoped3A : memref<!tpu.dma_semaphore, #tpu.memory_space<semaphore_mem>>)
        %dma_wait3A = arith.constant 0 : i32
        %dma_wait3A_322 = tpu.memref_slice %arg13[%dma_wait3A] : memref<624xf32, #tpu.memory_space<vmem>> -> memref<624xf32, #tpu.memory_space<vmem>>
        %dma_wait3A_323 = tpu.memref_slice %arg14[%mul3A_301] : memref<10016xf32, #tpu.memory_space<vmem_shared>> -> memref<624xf32, #tpu.memory_space<vmem_shared>>
        %dma_wait3A_324 = arith.constant 0 : i32
        %dma_wait3A_325 = tpu.memref_slice %arg13[%dma_wait3A_324] : memref<624xf32, #tpu.memory_space<vmem>> -> memref<624xf32, #tpu.memory_space<vmem>>
        %dma_wait3A_326 = tpu.memref_slice %arg14[%mul3A_301] : memref<10016xf32, #tpu.memory_space<vmem_shared>> -> memref<624xf32, #tpu.memory_space<vmem_shared>>
        tpu.wait_dma2 semaphore(%run_scoped3A : memref<!tpu.dma_semaphore, #tpu.memory_space<semaphore_mem>>) src(%dma_wait3A_326 : memref<624xf32, #tpu.memory_space<vmem_shared>>) dst(%dma_wait3A_325 : memref<624xf32, #tpu.memory_space<vmem>>)
        tpu.yield
      }) : () -> ()
      "tpu.region"() ({
        %run_scoped3A = tpu.sem_alloc : memref<!tpu.dma_semaphore, #tpu.memory_space<semaphore_mem>>
        %dma_start3A = arith.constant 0 : i32
        %dma_start3A_317 = tpu.memref_slice %arg13[%dma_start3A] : memref<624xf32, #tpu.memory_space<vmem>> -> memref<624xf32, #tpu.memory_space<vmem>>
        %dma_start3A_318 = tpu.memref_slice %arg4[%mul3A_301] : memref<10000xf32, #tpu.memory_space<hbm>> -> memref<624xf32, #tpu.memory_space<hbm>>
        %dma_start3A_319 = tpu.memref_slice %arg4[%mul3A_301] : memref<10000xf32, #tpu.memory_space<hbm>> -> memref<624xf32, #tpu.memory_space<hbm>>
        %dma_start3A_320 = arith.constant 0 : i32
        %dma_start3A_321 = tpu.memref_slice %arg13[%dma_start3A_320] : memref<624xf32, #tpu.memory_space<vmem>> -> memref<624xf32, #tpu.memory_space<vmem>>
        tpu.enqueue_dma source(%dma_start3A_321 : memref<624xf32, #tpu.memory_space<vmem>>) target(%dma_start3A_319 : memref<624xf32, #tpu.memory_space<hbm>>) target_semaphore(%run_scoped3A : memref<!tpu.dma_semaphore, #tpu.memory_space<semaphore_mem>>)
        %dma_wait3A = arith.constant 0 : i32
        %dma_wait3A_322 = tpu.memref_slice %arg13[%dma_wait3A] : memref<624xf32, #tpu.memory_space<vmem>> -> memref<624xf32, #tpu.memory_space<vmem>>
        %dma_wait3A_323 = tpu.memref_slice %arg4[%mul3A_301] : memref<10000xf32, #tpu.memory_space<hbm>> -> memref<624xf32, #tpu.memory_space<hbm>>
        %dma_wait3A_324 = tpu.memref_slice %arg4[%mul3A_301] : memref<10000xf32, #tpu.memory_space<hbm>> -> memref<624xf32, #tpu.memory_space<hbm>>
        %dma_wait3A_325 = arith.constant 0 : i32
        %dma_wait3A_326 = tpu.memref_slice %arg13[%dma_wait3A_325] : memref<624xf32, #tpu.memory_space<vmem>> -> memref<624xf32, #tpu.memory_space<vmem>>
        tpu.wait_dma2 semaphore(%run_scoped3A : memref<!tpu.dma_semaphore, #tpu.memory_space<semaphore_mem>>) src(%dma_wait3A_326 : memref<624xf32, #tpu.memory_space<vmem>>) dst(%dma_wait3A_324 : memref<624xf32, #tpu.memory_space<hbm>>)
        tpu.yield
      }) : () -> ()
      "tpu.region"() ({
        %run_scoped3A = tpu.sem_alloc : memref<!tpu.dma_semaphore, #tpu.memory_space<semaphore_mem>>
        %dma_start3A = arith.constant 0 : i32
        %dma_start3A_317 = tpu.memref_slice %arg13[%dma_start3A] : memref<624xf32, #tpu.memory_space<vmem>> -> memref<624xf32, #tpu.memory_space<vmem>>
        %dma_start3A_318 = tpu.memref_slice %arg15[%mul3A_301] : memref<10016xf32, #tpu.memory_space<vmem_shared>> -> memref<624xf32, #tpu.memory_space<vmem_shared>>
        %dma_start3A_319 = arith.constant 0 : i32
        %dma_start3A_320 = tpu.memref_slice %arg13[%dma_start3A_319] : memref<624xf32, #tpu.memory_space<vmem>> -> memref<624xf32, #tpu.memory_space<vmem>>
        %dma_start3A_321 = tpu.memref_slice %arg15[%mul3A_301] : memref<10016xf32, #tpu.memory_space<vmem_shared>> -> memref<624xf32, #tpu.memory_space<vmem_shared>>
        tpu.enqueue_dma source(%dma_start3A_321 : memref<624xf32, #tpu.memory_space<vmem_shared>>) target(%dma_start3A_320 : memref<624xf32, #tpu.memory_space<vmem>>) target_semaphore(%run_scoped3A : memref<!tpu.dma_semaphore, #tpu.memory_space<semaphore_mem>>)
        %dma_wait3A = arith.constant 0 : i32
        %dma_wait3A_322 = tpu.memref_slice %arg13[%dma_wait3A] : memref<624xf32, #tpu.memory_space<vmem>> -> memref<624xf32, #tpu.memory_space<vmem>>
        %dma_wait3A_323 = tpu.memref_slice %arg15[%mul3A_301] : memref<10016xf32, #tpu.memory_space<vmem_shared>> -> memref<624xf32, #tpu.memory_space<vmem_shared>>
        %dma_wait3A_324 = arith.constant 0 : i32
        %dma_wait3A_325 = tpu.memref_slice %arg13[%dma_wait3A_324] : memref<624xf32, #tpu.memory_space<vmem>> -> memref<624xf32, #tpu.memory_space<vmem>>
        %dma_wait3A_326 = tpu.memref_slice %arg15[%mul3A_301] : memref<10016xf32, #tpu.memory_space<vmem_shared>> -> memref<624xf32, #tpu.memory_space<vmem_shared>>
        tpu.wait_dma2 semaphore(%run_scoped3A : memref<!tpu.dma_semaphore, #tpu.memory_space<semaphore_mem>>) src(%dma_wait3A_326 : memref<624xf32, #tpu.memory_space<vmem_shared>>) dst(%dma_wait3A_325 : memref<624xf32, #tpu.memory_space<vmem>>)
        tpu.yield
      }) : () -> ()
      "tpu.region"() ({
        %run_scoped3A = tpu.sem_alloc : memref<!tpu.dma_semaphore, #tpu.memory_space<semaphore_mem>>
        %dma_start3A = arith.constant 0 : i32
        %dma_start3A_317 = tpu.memref_slice %arg13[%dma_start3A] : memref<624xf32, #tpu.memory_space<vmem>> -> memref<624xf32, #tpu.memory_space<vmem>>
        %dma_start3A_318 = tpu.memref_slice %arg6[%mul3A_301] : memref<10000xf32, #tpu.memory_space<hbm>> -> memref<624xf32, #tpu.memory_space<hbm>>
        %dma_start3A_319 = tpu.memref_slice %arg6[%mul3A_301] : memref<10000xf32, #tpu.memory_space<hbm>> -> memref<624xf32, #tpu.memory_space<hbm>>
        %dma_start3A_320 = arith.constant 0 : i32
        %dma_start3A_321 = tpu.memref_slice %arg13[%dma_start3A_320] : memref<624xf32, #tpu.memory_space<vmem>> -> memref<624xf32, #tpu.memory_space<vmem>>
        tpu.enqueue_dma source(%dma_start3A_321 : memref<624xf32, #tpu.memory_space<vmem>>) target(%dma_start3A_319 : memref<624xf32, #tpu.memory_space<hbm>>) target_semaphore(%run_scoped3A : memref<!tpu.dma_semaphore, #tpu.memory_space<semaphore_mem>>)
        %dma_wait3A = arith.constant 0 : i32
        %dma_wait3A_322 = tpu.memref_slice %arg13[%dma_wait3A] : memref<624xf32, #tpu.memory_space<vmem>> -> memref<624xf32, #tpu.memory_space<vmem>>
        %dma_wait3A_323 = tpu.memref_slice %arg6[%mul3A_301] : memref<10000xf32, #tpu.memory_space<hbm>> -> memref<624xf32, #tpu.memory_space<hbm>>
        %dma_wait3A_324 = tpu.memref_slice %arg6[%mul3A_301] : memref<10000xf32, #tpu.memory_space<hbm>> -> memref<624xf32, #tpu.memory_space<hbm>>
        %dma_wait3A_325 = arith.constant 0 : i32
        %dma_wait3A_326 = tpu.memref_slice %arg13[%dma_wait3A_325] : memref<624xf32, #tpu.memory_space<vmem>> -> memref<624xf32, #tpu.memory_space<vmem>>
        tpu.wait_dma2 semaphore(%run_scoped3A : memref<!tpu.dma_semaphore, #tpu.memory_space<semaphore_mem>>) src(%dma_wait3A_326 : memref<624xf32, #tpu.memory_space<vmem>>) dst(%dma_wait3A_324 : memref<624xf32, #tpu.memory_space<hbm>>)
        tpu.yield
      }) : () -> ()
    } else {
    }
    %eq3A_307 = arith.constant 1 : i32
    %eq3A_308 = arith.cmpi eq, %arg0, %eq3A_307 : i32
    %convert_element_type3A_309 = arith.extui %eq3A_308 : i1 to i32
    %cond3A_310 = arith.constant 0 : i32
    %cond3A_311 = arith.cmpi ne, %convert_element_type3A_309, %cond3A_310 : i32
    scf.if %cond3A_311 {
      "tpu.region"() ({
        %run_scoped3A = tpu.sem_alloc : memref<!tpu.dma_semaphore, #tpu.memory_space<semaphore_mem>>
        %dma_start3A = arith.constant 0 : i32
        %dma_start3A_317 = tpu.memref_slice %arg13[%dma_start3A] : memref<624xf32, #tpu.memory_space<vmem>> -> memref<624xf32, #tpu.memory_space<vmem>>
        %dma_start3A_318 = tpu.memref_slice %arg14[%mul3A_301] : memref<10016xf32, #tpu.memory_space<vmem_shared>> -> memref<624xf32, #tpu.memory_space<vmem_shared>>
        %dma_start3A_319 = arith.constant 0 : i32
        %dma_start3A_320 = tpu.memref_slice %arg13[%dma_start3A_319] : memref<624xf32, #tpu.memory_space<vmem>> -> memref<624xf32, #tpu.memory_space<vmem>>
        %dma_start3A_321 = tpu.memref_slice %arg14[%mul3A_301] : memref<10016xf32, #tpu.memory_space<vmem_shared>> -> memref<624xf32, #tpu.memory_space<vmem_shared>>
        tpu.enqueue_dma source(%dma_start3A_321 : memref<624xf32, #tpu.memory_space<vmem_shared>>) target(%dma_start3A_320 : memref<624xf32, #tpu.memory_space<vmem>>) target_semaphore(%run_scoped3A : memref<!tpu.dma_semaphore, #tpu.memory_space<semaphore_mem>>)
        %dma_wait3A = arith.constant 0 : i32
        %dma_wait3A_322 = tpu.memref_slice %arg13[%dma_wait3A] : memref<624xf32, #tpu.memory_space<vmem>> -> memref<624xf32, #tpu.memory_space<vmem>>
        %dma_wait3A_323 = tpu.memref_slice %arg14[%mul3A_301] : memref<10016xf32, #tpu.memory_space<vmem_shared>> -> memref<624xf32, #tpu.memory_space<vmem_shared>>
        %dma_wait3A_324 = arith.constant 0 : i32
        %dma_wait3A_325 = tpu.memref_slice %arg13[%dma_wait3A_324] : memref<624xf32, #tpu.memory_space<vmem>> -> memref<624xf32, #tpu.memory_space<vmem>>
        %dma_wait3A_326 = tpu.memref_slice %arg14[%mul3A_301] : memref<10016xf32, #tpu.memory_space<vmem_shared>> -> memref<624xf32, #tpu.memory_space<vmem_shared>>
        tpu.wait_dma2 semaphore(%run_scoped3A : memref<!tpu.dma_semaphore, #tpu.memory_space<semaphore_mem>>) src(%dma_wait3A_326 : memref<624xf32, #tpu.memory_space<vmem_shared>>) dst(%dma_wait3A_325 : memref<624xf32, #tpu.memory_space<vmem>>)
        tpu.yield
      }) : () -> ()
      "tpu.region"() ({
        %run_scoped3A = tpu.sem_alloc : memref<!tpu.dma_semaphore, #tpu.memory_space<semaphore_mem>>
        %dma_start3A = arith.constant 0 : i32
        %dma_start3A_317 = tpu.memref_slice %arg13[%dma_start3A] : memref<624xf32, #tpu.memory_space<vmem>> -> memref<624xf32, #tpu.memory_space<vmem>>
        %dma_start3A_318 = tpu.memref_slice %arg5[%mul3A_301] : memref<10000xf32, #tpu.memory_space<hbm>> -> memref<624xf32, #tpu.memory_space<hbm>>
        %dma_start3A_319 = tpu.memref_slice %arg5[%mul3A_301] : memref<10000xf32, #tpu.memory_space<hbm>> -> memref<624xf32, #tpu.memory_space<hbm>>
        %dma_start3A_320 = arith.constant 0 : i32
        %dma_start3A_321 = tpu.memref_slice %arg13[%dma_start3A_320] : memref<624xf32, #tpu.memory_space<vmem>> -> memref<624xf32, #tpu.memory_space<vmem>>
        tpu.enqueue_dma source(%dma_start3A_321 : memref<624xf32, #tpu.memory_space<vmem>>) target(%dma_start3A_319 : memref<624xf32, #tpu.memory_space<hbm>>) target_semaphore(%run_scoped3A : memref<!tpu.dma_semaphore, #tpu.memory_space<semaphore_mem>>)
        %dma_wait3A = arith.constant 0 : i32
        %dma_wait3A_322 = tpu.memref_slice %arg13[%dma_wait3A] : memref<624xf32, #tpu.memory_space<vmem>> -> memref<624xf32, #tpu.memory_space<vmem>>
        %dma_wait3A_323 = tpu.memref_slice %arg5[%mul3A_301] : memref<10000xf32, #tpu.memory_space<hbm>> -> memref<624xf32, #tpu.memory_space<hbm>>
        %dma_wait3A_324 = tpu.memref_slice %arg5[%mul3A_301] : memref<10000xf32, #tpu.memory_space<hbm>> -> memref<624xf32, #tpu.memory_space<hbm>>
        %dma_wait3A_325 = arith.constant 0 : i32
        %dma_wait3A_326 = tpu.memref_slice %arg13[%dma_wait3A_325] : memref<624xf32, #tpu.memory_space<vmem>> -> memref<624xf32, #tpu.memory_space<vmem>>
        tpu.wait_dma2 semaphore(%run_scoped3A : memref<!tpu.dma_semaphore, #tpu.memory_space<semaphore_mem>>) src(%dma_wait3A_326 : memref<624xf32, #tpu.memory_space<vmem>>) dst(%dma_wait3A_324 : memref<624xf32, #tpu.memory_space<hbm>>)
        tpu.yield
      }) : () -> ()
      "tpu.region"() ({
        %run_scoped3A = tpu.sem_alloc : memref<!tpu.dma_semaphore, #tpu.memory_space<semaphore_mem>>
        %dma_start3A = arith.constant 0 : i32
        %dma_start3A_317 = tpu.memref_slice %arg13[%dma_start3A] : memref<624xf32, #tpu.memory_space<vmem>> -> memref<624xf32, #tpu.memory_space<vmem>>
        %dma_start3A_318 = tpu.memref_slice %arg15[%mul3A_301] : memref<10016xf32, #tpu.memory_space<vmem_shared>> -> memref<624xf32, #tpu.memory_space<vmem_shared>>
        %dma_start3A_319 = arith.constant 0 : i32
        %dma_start3A_320 = tpu.memref_slice %arg13[%dma_start3A_319] : memref<624xf32, #tpu.memory_space<vmem>> -> memref<624xf32, #tpu.memory_space<vmem>>
        %dma_start3A_321 = tpu.memref_slice %arg15[%mul3A_301] : memref<10016xf32, #tpu.memory_space<vmem_shared>> -> memref<624xf32, #tpu.memory_space<vmem_shared>>
        tpu.enqueue_dma source(%dma_start3A_321 : memref<624xf32, #tpu.memory_space<vmem_shared>>) target(%dma_start3A_320 : memref<624xf32, #tpu.memory_space<vmem>>) target_semaphore(%run_scoped3A : memref<!tpu.dma_semaphore, #tpu.memory_space<semaphore_mem>>)
        %dma_wait3A = arith.constant 0 : i32
        %dma_wait3A_322 = tpu.memref_slice %arg13[%dma_wait3A] : memref<624xf32, #tpu.memory_space<vmem>> -> memref<624xf32, #tpu.memory_space<vmem>>
        %dma_wait3A_323 = tpu.memref_slice %arg15[%mul3A_301] : memref<10016xf32, #tpu.memory_space<vmem_shared>> -> memref<624xf32, #tpu.memory_space<vmem_shared>>
        %dma_wait3A_324 = arith.constant 0 : i32
        %dma_wait3A_325 = tpu.memref_slice %arg13[%dma_wait3A_324] : memref<624xf32, #tpu.memory_space<vmem>> -> memref<624xf32, #tpu.memory_space<vmem>>
        %dma_wait3A_326 = tpu.memref_slice %arg15[%mul3A_301] : memref<10016xf32, #tpu.memory_space<vmem_shared>> -> memref<624xf32, #tpu.memory_space<vmem_shared>>
        tpu.wait_dma2 semaphore(%run_scoped3A : memref<!tpu.dma_semaphore, #tpu.memory_space<semaphore_mem>>) src(%dma_wait3A_326 : memref<624xf32, #tpu.memory_space<vmem_shared>>) dst(%dma_wait3A_325 : memref<624xf32, #tpu.memory_space<vmem>>)
        tpu.yield
      }) : () -> ()
      "tpu.region"() ({
        %run_scoped3A = tpu.sem_alloc : memref<!tpu.dma_semaphore, #tpu.memory_space<semaphore_mem>>
        %dma_start3A = arith.constant 0 : i32
        %dma_start3A_317 = tpu.memref_slice %arg13[%dma_start3A] : memref<624xf32, #tpu.memory_space<vmem>> -> memref<624xf32, #tpu.memory_space<vmem>>
        %dma_start3A_318 = tpu.memref_slice %arg7[%mul3A_301] : memref<10000xf32, #tpu.memory_space<hbm>> -> memref<624xf32, #tpu.memory_space<hbm>>
        %dma_start3A_319 = tpu.memref_slice %arg7[%mul3A_301] : memref<10000xf32, #tpu.memory_space<hbm>> -> memref<624xf32, #tpu.memory_space<hbm>>
        %dma_start3A_320 = arith.constant 0 : i32
        %dma_start3A_321 = tpu.memref_slice %arg13[%dma_start3A_320] : memref<624xf32, #tpu.memory_space<vmem>> -> memref<624xf32, #tpu.memory_space<vmem>>
        tpu.enqueue_dma source(%dma_start3A_321 : memref<624xf32, #tpu.memory_space<vmem>>) target(%dma_start3A_319 : memref<624xf32, #tpu.memory_space<hbm>>) target_semaphore(%run_scoped3A : memref<!tpu.dma_semaphore, #tpu.memory_space<semaphore_mem>>)
        %dma_wait3A = arith.constant 0 : i32
        %dma_wait3A_322 = tpu.memref_slice %arg13[%dma_wait3A] : memref<624xf32, #tpu.memory_space<vmem>> -> memref<624xf32, #tpu.memory_space<vmem>>
        %dma_wait3A_323 = tpu.memref_slice %arg7[%mul3A_301] : memref<10000xf32, #tpu.memory_space<hbm>> -> memref<624xf32, #tpu.memory_space<hbm>>
        %dma_wait3A_324 = tpu.memref_slice %arg7[%mul3A_301] : memref<10000xf32, #tpu.memory_space<hbm>> -> memref<624xf32, #tpu.memory_space<hbm>>
        %dma_wait3A_325 = arith.constant 0 : i32
        %dma_wait3A_326 = tpu.memref_slice %arg13[%dma_wait3A_325] : memref<624xf32, #tpu.memory_space<vmem>> -> memref<624xf32, #tpu.memory_space<vmem>>
        tpu.wait_dma2 semaphore(%run_scoped3A : memref<!tpu.dma_semaphore, #tpu.memory_space<semaphore_mem>>) src(%dma_wait3A_326 : memref<624xf32, #tpu.memory_space<vmem>>) dst(%dma_wait3A_324 : memref<624xf32, #tpu.memory_space<hbm>>)
        tpu.yield
      }) : () -> ()
    } else {
    }
    %eq3A_312 = arith.constant 15 : i32
    %eq3A_313 = arith.cmpi eq, %arg1, %eq3A_312 : i32
    %convert_element_type3A_314 = arith.extui %eq3A_313 : i1 to i32
    %cond3A_315 = arith.constant 0 : i32
    %cond3A_316 = arith.cmpi ne, %convert_element_type3A_314, %cond3A_315 : i32
    scf.if %cond3A_316 {
      %eq3A_317 = arith.constant 0 : i32
      %eq3A_318 = arith.cmpi eq, %arg0, %eq3A_317 : i32
      %convert_element_type3A_319 = arith.extui %eq3A_318 : i1 to i32
      %cond3A_320 = arith.constant 0 : i32
      %cond3A_321 = arith.cmpi ne, %convert_element_type3A_319, %cond3A_320 : i32
      scf.if %cond3A_321 {
        "tpu.region"() ({
          %run_scoped3A = tpu.sem_alloc : memref<!tpu.dma_semaphore, #tpu.memory_space<semaphore_mem>>
          %dma_start3A = arith.constant 0 : i32
          %dma_start3A_327 = tpu.memref_slice %arg13[%dma_start3A] : memref<624xf32, #tpu.memory_space<vmem>> -> memref<16xf32, #tpu.memory_space<vmem>>
          %dma_start3A_328 = arith.constant 9984 : i32
          %dma_start3A_329 = tpu.memref_slice %arg14[%dma_start3A_328] : memref<10016xf32, #tpu.memory_space<vmem_shared>> -> memref<16xf32, #tpu.memory_space<vmem_shared>>
          %dma_start3A_330 = arith.constant 0 : i32
          %dma_start3A_331 = tpu.memref_slice %arg13[%dma_start3A_330] : memref<624xf32, #tpu.memory_space<vmem>> -> memref<16xf32, #tpu.memory_space<vmem>>
          %dma_start3A_332 = arith.constant 9984 : i32
          %dma_start3A_333 = tpu.memref_slice %arg14[%dma_start3A_332] : memref<10016xf32, #tpu.memory_space<vmem_shared>> -> memref<16xf32, #tpu.memory_space<vmem_shared>>
          tpu.enqueue_dma source(%dma_start3A_333 : memref<16xf32, #tpu.memory_space<vmem_shared>>) target(%dma_start3A_331 : memref<16xf32, #tpu.memory_space<vmem>>) target_semaphore(%run_scoped3A : memref<!tpu.dma_semaphore, #tpu.memory_space<semaphore_mem>>)
          %dma_wait3A = arith.constant 0 : i32
          %dma_wait3A_334 = tpu.memref_slice %arg13[%dma_wait3A] : memref<624xf32, #tpu.memory_space<vmem>> -> memref<16xf32, #tpu.memory_space<vmem>>
          %dma_wait3A_335 = arith.constant 9984 : i32
          %dma_wait3A_336 = tpu.memref_slice %arg14[%dma_wait3A_335] : memref<10016xf32, #tpu.memory_space<vmem_shared>> -> memref<16xf32, #tpu.memory_space<vmem_shared>>
          %dma_wait3A_337 = arith.constant 0 : i32
          %dma_wait3A_338 = tpu.memref_slice %arg13[%dma_wait3A_337] : memref<624xf32, #tpu.memory_space<vmem>> -> memref<16xf32, #tpu.memory_space<vmem>>
          %dma_wait3A_339 = arith.constant 9984 : i32
          %dma_wait3A_340 = tpu.memref_slice %arg14[%dma_wait3A_339] : memref<10016xf32, #tpu.memory_space<vmem_shared>> -> memref<16xf32, #tpu.memory_space<vmem_shared>>
          tpu.wait_dma2 semaphore(%run_scoped3A : memref<!tpu.dma_semaphore, #tpu.memory_space<semaphore_mem>>) src(%dma_wait3A_340 : memref<16xf32, #tpu.memory_space<vmem_shared>>) dst(%dma_wait3A_338 : memref<16xf32, #tpu.memory_space<vmem>>)
          tpu.yield
        }) : () -> ()
        "tpu.region"() ({
          %run_scoped3A = tpu.sem_alloc : memref<!tpu.dma_semaphore, #tpu.memory_space<semaphore_mem>>
          %dma_start3A = arith.constant 0 : i32
          %dma_start3A_327 = tpu.memref_slice %arg13[%dma_start3A] : memref<624xf32, #tpu.memory_space<vmem>> -> memref<16xf32, #tpu.memory_space<vmem>>
          %dma_start3A_328 = arith.constant 9984 : i32
          %dma_start3A_329 = tpu.memref_slice %arg4[%dma_start3A_328] : memref<10000xf32, #tpu.memory_space<hbm>> -> memref<16xf32, #tpu.memory_space<hbm>>
          %dma_start3A_330 = arith.constant 9984 : i32
          %dma_start3A_331 = tpu.memref_slice %arg4[%dma_start3A_330] : memref<10000xf32, #tpu.memory_space<hbm>> -> memref<16xf32, #tpu.memory_space<hbm>>
          %dma_start3A_332 = arith.constant 0 : i32
          %dma_start3A_333 = tpu.memref_slice %arg13[%dma_start3A_332] : memref<624xf32, #tpu.memory_space<vmem>> -> memref<16xf32, #tpu.memory_space<vmem>>
          tpu.enqueue_dma source(%dma_start3A_333 : memref<16xf32, #tpu.memory_space<vmem>>) target(%dma_start3A_331 : memref<16xf32, #tpu.memory_space<hbm>>) target_semaphore(%run_scoped3A : memref<!tpu.dma_semaphore, #tpu.memory_space<semaphore_mem>>)
          %dma_wait3A = arith.constant 0 : i32
          %dma_wait3A_334 = tpu.memref_slice %arg13[%dma_wait3A] : memref<624xf32, #tpu.memory_space<vmem>> -> memref<16xf32, #tpu.memory_space<vmem>>
          %dma_wait3A_335 = arith.constant 9984 : i32
          %dma_wait3A_336 = tpu.memref_slice %arg4[%dma_wait3A_335] : memref<10000xf32, #tpu.memory_space<hbm>> -> memref<16xf32, #tpu.memory_space<hbm>>
          %dma_wait3A_337 = arith.constant 9984 : i32
          %dma_wait3A_338 = tpu.memref_slice %arg4[%dma_wait3A_337] : memref<10000xf32, #tpu.memory_space<hbm>> -> memref<16xf32, #tpu.memory_space<hbm>>
          %dma_wait3A_339 = arith.constant 0 : i32
          %dma_wait3A_340 = tpu.memref_slice %arg13[%dma_wait3A_339] : memref<624xf32, #tpu.memory_space<vmem>> -> memref<16xf32, #tpu.memory_space<vmem>>
          tpu.wait_dma2 semaphore(%run_scoped3A : memref<!tpu.dma_semaphore, #tpu.memory_space<semaphore_mem>>) src(%dma_wait3A_340 : memref<16xf32, #tpu.memory_space<vmem>>) dst(%dma_wait3A_338 : memref<16xf32, #tpu.memory_space<hbm>>)
          tpu.yield
        }) : () -> ()
        "tpu.region"() ({
          %run_scoped3A = tpu.sem_alloc : memref<!tpu.dma_semaphore, #tpu.memory_space<semaphore_mem>>
          %dma_start3A = arith.constant 0 : i32
          %dma_start3A_327 = tpu.memref_slice %arg13[%dma_start3A] : memref<624xf32, #tpu.memory_space<vmem>> -> memref<16xf32, #tpu.memory_space<vmem>>
          %dma_start3A_328 = arith.constant 9984 : i32
          %dma_start3A_329 = tpu.memref_slice %arg15[%dma_start3A_328] : memref<10016xf32, #tpu.memory_space<vmem_shared>> -> memref<16xf32, #tpu.memory_space<vmem_shared>>
          %dma_start3A_330 = arith.constant 0 : i32
          %dma_start3A_331 = tpu.memref_slice %arg13[%dma_start3A_330] : memref<624xf32, #tpu.memory_space<vmem>> -> memref<16xf32, #tpu.memory_space<vmem>>
          %dma_start3A_332 = arith.constant 9984 : i32
          %dma_start3A_333 = tpu.memref_slice %arg15[%dma_start3A_332] : memref<10016xf32, #tpu.memory_space<vmem_shared>> -> memref<16xf32, #tpu.memory_space<vmem_shared>>
          tpu.enqueue_dma source(%dma_start3A_333 : memref<16xf32, #tpu.memory_space<vmem_shared>>) target(%dma_start3A_331 : memref<16xf32, #tpu.memory_space<vmem>>) target_semaphore(%run_scoped3A : memref<!tpu.dma_semaphore, #tpu.memory_space<semaphore_mem>>)
          %dma_wait3A = arith.constant 0 : i32
          %dma_wait3A_334 = tpu.memref_slice %arg13[%dma_wait3A] : memref<624xf32, #tpu.memory_space<vmem>> -> memref<16xf32, #tpu.memory_space<vmem>>
          %dma_wait3A_335 = arith.constant 9984 : i32
          %dma_wait3A_336 = tpu.memref_slice %arg15[%dma_wait3A_335] : memref<10016xf32, #tpu.memory_space<vmem_shared>> -> memref<16xf32, #tpu.memory_space<vmem_shared>>
          %dma_wait3A_337 = arith.constant 0 : i32
          %dma_wait3A_338 = tpu.memref_slice %arg13[%dma_wait3A_337] : memref<624xf32, #tpu.memory_space<vmem>> -> memref<16xf32, #tpu.memory_space<vmem>>
          %dma_wait3A_339 = arith.constant 9984 : i32
          %dma_wait3A_340 = tpu.memref_slice %arg15[%dma_wait3A_339] : memref<10016xf32, #tpu.memory_space<vmem_shared>> -> memref<16xf32, #tpu.memory_space<vmem_shared>>
          tpu.wait_dma2 semaphore(%run_scoped3A : memref<!tpu.dma_semaphore, #tpu.memory_space<semaphore_mem>>) src(%dma_wait3A_340 : memref<16xf32, #tpu.memory_space<vmem_shared>>) dst(%dma_wait3A_338 : memref<16xf32, #tpu.memory_space<vmem>>)
          tpu.yield
        }) : () -> ()
        "tpu.region"() ({
          %run_scoped3A = tpu.sem_alloc : memref<!tpu.dma_semaphore, #tpu.memory_space<semaphore_mem>>
          %dma_start3A = arith.constant 0 : i32
          %dma_start3A_327 = tpu.memref_slice %arg13[%dma_start3A] : memref<624xf32, #tpu.memory_space<vmem>> -> memref<16xf32, #tpu.memory_space<vmem>>
          %dma_start3A_328 = arith.constant 9984 : i32
          %dma_start3A_329 = tpu.memref_slice %arg6[%dma_start3A_328] : memref<10000xf32, #tpu.memory_space<hbm>> -> memref<16xf32, #tpu.memory_space<hbm>>
          %dma_start3A_330 = arith.constant 9984 : i32
          %dma_start3A_331 = tpu.memref_slice %arg6[%dma_start3A_330] : memref<10000xf32, #tpu.memory_space<hbm>> -> memref<16xf32, #tpu.memory_space<hbm>>
          %dma_start3A_332 = arith.constant 0 : i32
          %dma_start3A_333 = tpu.memref_slice %arg13[%dma_start3A_332] : memref<624xf32, #tpu.memory_space<vmem>> -> memref<16xf32, #tpu.memory_space<vmem>>
          tpu.enqueue_dma source(%dma_start3A_333 : memref<16xf32, #tpu.memory_space<vmem>>) target(%dma_start3A_331 : memref<16xf32, #tpu.memory_space<hbm>>) target_semaphore(%run_scoped3A : memref<!tpu.dma_semaphore, #tpu.memory_space<semaphore_mem>>)
          %dma_wait3A = arith.constant 0 : i32
          %dma_wait3A_334 = tpu.memref_slice %arg13[%dma_wait3A] : memref<624xf32, #tpu.memory_space<vmem>> -> memref<16xf32, #tpu.memory_space<vmem>>
          %dma_wait3A_335 = arith.constant 9984 : i32
          %dma_wait3A_336 = tpu.memref_slice %arg6[%dma_wait3A_335] : memref<10000xf32, #tpu.memory_space<hbm>> -> memref<16xf32, #tpu.memory_space<hbm>>
          %dma_wait3A_337 = arith.constant 9984 : i32
          %dma_wait3A_338 = tpu.memref_slice %arg6[%dma_wait3A_337] : memref<10000xf32, #tpu.memory_space<hbm>> -> memref<16xf32, #tpu.memory_space<hbm>>
          %dma_wait3A_339 = arith.constant 0 : i32
          %dma_wait3A_340 = tpu.memref_slice %arg13[%dma_wait3A_339] : memref<624xf32, #tpu.memory_space<vmem>> -> memref<16xf32, #tpu.memory_space<vmem>>
          tpu.wait_dma2 semaphore(%run_scoped3A : memref<!tpu.dma_semaphore, #tpu.memory_space<semaphore_mem>>) src(%dma_wait3A_340 : memref<16xf32, #tpu.memory_space<vmem>>) dst(%dma_wait3A_338 : memref<16xf32, #tpu.memory_space<hbm>>)
          tpu.yield
        }) : () -> ()
      } else {
      }
      %eq3A_322 = arith.constant 1 : i32
      %eq3A_323 = arith.cmpi eq, %arg0, %eq3A_322 : i32
      %convert_element_type3A_324 = arith.extui %eq3A_323 : i1 to i32
      %cond3A_325 = arith.constant 0 : i32
      %cond3A_326 = arith.cmpi ne, %convert_element_type3A_324, %cond3A_325 : i32
      scf.if %cond3A_326 {
        "tpu.region"() ({
          %run_scoped3A = tpu.sem_alloc : memref<!tpu.dma_semaphore, #tpu.memory_space<semaphore_mem>>
          %dma_start3A = arith.constant 0 : i32
          %dma_start3A_327 = tpu.memref_slice %arg13[%dma_start3A] : memref<624xf32, #tpu.memory_space<vmem>> -> memref<16xf32, #tpu.memory_space<vmem>>
          %dma_start3A_328 = arith.constant 9984 : i32
          %dma_start3A_329 = tpu.memref_slice %arg14[%dma_start3A_328] : memref<10016xf32, #tpu.memory_space<vmem_shared>> -> memref<16xf32, #tpu.memory_space<vmem_shared>>
          %dma_start3A_330 = arith.constant 0 : i32
          %dma_start3A_331 = tpu.memref_slice %arg13[%dma_start3A_330] : memref<624xf32, #tpu.memory_space<vmem>> -> memref<16xf32, #tpu.memory_space<vmem>>
          %dma_start3A_332 = arith.constant 9984 : i32
          %dma_start3A_333 = tpu.memref_slice %arg14[%dma_start3A_332] : memref<10016xf32, #tpu.memory_space<vmem_shared>> -> memref<16xf32, #tpu.memory_space<vmem_shared>>
          tpu.enqueue_dma source(%dma_start3A_333 : memref<16xf32, #tpu.memory_space<vmem_shared>>) target(%dma_start3A_331 : memref<16xf32, #tpu.memory_space<vmem>>) target_semaphore(%run_scoped3A : memref<!tpu.dma_semaphore, #tpu.memory_space<semaphore_mem>>)
          %dma_wait3A = arith.constant 0 : i32
          %dma_wait3A_334 = tpu.memref_slice %arg13[%dma_wait3A] : memref<624xf32, #tpu.memory_space<vmem>> -> memref<16xf32, #tpu.memory_space<vmem>>
          %dma_wait3A_335 = arith.constant 9984 : i32
          %dma_wait3A_336 = tpu.memref_slice %arg14[%dma_wait3A_335] : memref<10016xf32, #tpu.memory_space<vmem_shared>> -> memref<16xf32, #tpu.memory_space<vmem_shared>>
          %dma_wait3A_337 = arith.constant 0 : i32
          %dma_wait3A_338 = tpu.memref_slice %arg13[%dma_wait3A_337] : memref<624xf32, #tpu.memory_space<vmem>> -> memref<16xf32, #tpu.memory_space<vmem>>
          %dma_wait3A_339 = arith.constant 9984 : i32
          %dma_wait3A_340 = tpu.memref_slice %arg14[%dma_wait3A_339] : memref<10016xf32, #tpu.memory_space<vmem_shared>> -> memref<16xf32, #tpu.memory_space<vmem_shared>>
          tpu.wait_dma2 semaphore(%run_scoped3A : memref<!tpu.dma_semaphore, #tpu.memory_space<semaphore_mem>>) src(%dma_wait3A_340 : memref<16xf32, #tpu.memory_space<vmem_shared>>) dst(%dma_wait3A_338 : memref<16xf32, #tpu.memory_space<vmem>>)
          tpu.yield
        }) : () -> ()
        "tpu.region"() ({
          %run_scoped3A = tpu.sem_alloc : memref<!tpu.dma_semaphore, #tpu.memory_space<semaphore_mem>>
          %dma_start3A = arith.constant 0 : i32
          %dma_start3A_327 = tpu.memref_slice %arg13[%dma_start3A] : memref<624xf32, #tpu.memory_space<vmem>> -> memref<16xf32, #tpu.memory_space<vmem>>
          %dma_start3A_328 = arith.constant 9984 : i32
          %dma_start3A_329 = tpu.memref_slice %arg5[%dma_start3A_328] : memref<10000xf32, #tpu.memory_space<hbm>> -> memref<16xf32, #tpu.memory_space<hbm>>
          %dma_start3A_330 = arith.constant 9984 : i32
          %dma_start3A_331 = tpu.memref_slice %arg5[%dma_start3A_330] : memref<10000xf32, #tpu.memory_space<hbm>> -> memref<16xf32, #tpu.memory_space<hbm>>
          %dma_start3A_332 = arith.constant 0 : i32
          %dma_start3A_333 = tpu.memref_slice %arg13[%dma_start3A_332] : memref<624xf32, #tpu.memory_space<vmem>> -> memref<16xf32, #tpu.memory_space<vmem>>
          tpu.enqueue_dma source(%dma_start3A_333 : memref<16xf32, #tpu.memory_space<vmem>>) target(%dma_start3A_331 : memref<16xf32, #tpu.memory_space<hbm>>) target_semaphore(%run_scoped3A : memref<!tpu.dma_semaphore, #tpu.memory_space<semaphore_mem>>)
          %dma_wait3A = arith.constant 0 : i32
          %dma_wait3A_334 = tpu.memref_slice %arg13[%dma_wait3A] : memref<624xf32, #tpu.memory_space<vmem>> -> memref<16xf32, #tpu.memory_space<vmem>>
          %dma_wait3A_335 = arith.constant 9984 : i32
          %dma_wait3A_336 = tpu.memref_slice %arg5[%dma_wait3A_335] : memref<10000xf32, #tpu.memory_space<hbm>> -> memref<16xf32, #tpu.memory_space<hbm>>
          %dma_wait3A_337 = arith.constant 9984 : i32
          %dma_wait3A_338 = tpu.memref_slice %arg5[%dma_wait3A_337] : memref<10000xf32, #tpu.memory_space<hbm>> -> memref<16xf32, #tpu.memory_space<hbm>>
          %dma_wait3A_339 = arith.constant 0 : i32
          %dma_wait3A_340 = tpu.memref_slice %arg13[%dma_wait3A_339] : memref<624xf32, #tpu.memory_space<vmem>> -> memref<16xf32, #tpu.memory_space<vmem>>
          tpu.wait_dma2 semaphore(%run_scoped3A : memref<!tpu.dma_semaphore, #tpu.memory_space<semaphore_mem>>) src(%dma_wait3A_340 : memref<16xf32, #tpu.memory_space<vmem>>) dst(%dma_wait3A_338 : memref<16xf32, #tpu.memory_space<hbm>>)
          tpu.yield
        }) : () -> ()
        "tpu.region"() ({
          %run_scoped3A = tpu.sem_alloc : memref<!tpu.dma_semaphore, #tpu.memory_space<semaphore_mem>>
          %dma_start3A = arith.constant 0 : i32
          %dma_start3A_327 = tpu.memref_slice %arg13[%dma_start3A] : memref<624xf32, #tpu.memory_space<vmem>> -> memref<16xf32, #tpu.memory_space<vmem>>
          %dma_start3A_328 = arith.constant 9984 : i32
          %dma_start3A_329 = tpu.memref_slice %arg15[%dma_start3A_328] : memref<10016xf32, #tpu.memory_space<vmem_shared>> -> memref<16xf32, #tpu.memory_space<vmem_shared>>
          %dma_start3A_330 = arith.constant 0 : i32
          %dma_start3A_331 = tpu.memref_slice %arg13[%dma_start3A_330] : memref<624xf32, #tpu.memory_space<vmem>> -> memref<16xf32, #tpu.memory_space<vmem>>
          %dma_start3A_332 = arith.constant 9984 : i32
          %dma_start3A_333 = tpu.memref_slice %arg15[%dma_start3A_332] : memref<10016xf32, #tpu.memory_space<vmem_shared>> -> memref<16xf32, #tpu.memory_space<vmem_shared>>
          tpu.enqueue_dma source(%dma_start3A_333 : memref<16xf32, #tpu.memory_space<vmem_shared>>) target(%dma_start3A_331 : memref<16xf32, #tpu.memory_space<vmem>>) target_semaphore(%run_scoped3A : memref<!tpu.dma_semaphore, #tpu.memory_space<semaphore_mem>>)
          %dma_wait3A = arith.constant 0 : i32
          %dma_wait3A_334 = tpu.memref_slice %arg13[%dma_wait3A] : memref<624xf32, #tpu.memory_space<vmem>> -> memref<16xf32, #tpu.memory_space<vmem>>
          %dma_wait3A_335 = arith.constant 9984 : i32
          %dma_wait3A_336 = tpu.memref_slice %arg15[%dma_wait3A_335] : memref<10016xf32, #tpu.memory_space<vmem_shared>> -> memref<16xf32, #tpu.memory_space<vmem_shared>>
          %dma_wait3A_337 = arith.constant 0 : i32
          %dma_wait3A_338 = tpu.memref_slice %arg13[%dma_wait3A_337] : memref<624xf32, #tpu.memory_space<vmem>> -> memref<16xf32, #tpu.memory_space<vmem>>
          %dma_wait3A_339 = arith.constant 9984 : i32
          %dma_wait3A_340 = tpu.memref_slice %arg15[%dma_wait3A_339] : memref<10016xf32, #tpu.memory_space<vmem_shared>> -> memref<16xf32, #tpu.memory_space<vmem_shared>>
          tpu.wait_dma2 semaphore(%run_scoped3A : memref<!tpu.dma_semaphore, #tpu.memory_space<semaphore_mem>>) src(%dma_wait3A_340 : memref<16xf32, #tpu.memory_space<vmem_shared>>) dst(%dma_wait3A_338 : memref<16xf32, #tpu.memory_space<vmem>>)
          tpu.yield
        }) : () -> ()
        "tpu.region"() ({
          %run_scoped3A = tpu.sem_alloc : memref<!tpu.dma_semaphore, #tpu.memory_space<semaphore_mem>>
          %dma_start3A = arith.constant 0 : i32
          %dma_start3A_327 = tpu.memref_slice %arg13[%dma_start3A] : memref<624xf32, #tpu.memory_space<vmem>> -> memref<16xf32, #tpu.memory_space<vmem>>
          %dma_start3A_328 = arith.constant 9984 : i32
          %dma_start3A_329 = tpu.memref_slice %arg7[%dma_start3A_328] : memref<10000xf32, #tpu.memory_space<hbm>> -> memref<16xf32, #tpu.memory_space<hbm>>
          %dma_start3A_330 = arith.constant 9984 : i32
          %dma_start3A_331 = tpu.memref_slice %arg7[%dma_start3A_330] : memref<10000xf32, #tpu.memory_space<hbm>> -> memref<16xf32, #tpu.memory_space<hbm>>
          %dma_start3A_332 = arith.constant 0 : i32
          %dma_start3A_333 = tpu.memref_slice %arg13[%dma_start3A_332] : memref<624xf32, #tpu.memory_space<vmem>> -> memref<16xf32, #tpu.memory_space<vmem>>
          tpu.enqueue_dma source(%dma_start3A_333 : memref<16xf32, #tpu.memory_space<vmem>>) target(%dma_start3A_331 : memref<16xf32, #tpu.memory_space<hbm>>) target_semaphore(%run_scoped3A : memref<!tpu.dma_semaphore, #tpu.memory_space<semaphore_mem>>)
          %dma_wait3A = arith.constant 0 : i32
          %dma_wait3A_334 = tpu.memref_slice %arg13[%dma_wait3A] : memref<624xf32, #tpu.memory_space<vmem>> -> memref<16xf32, #tpu.memory_space<vmem>>
          %dma_wait3A_335 = arith.constant 9984 : i32
          %dma_wait3A_336 = tpu.memref_slice %arg7[%dma_wait3A_335] : memref<10000xf32, #tpu.memory_space<hbm>> -> memref<16xf32, #tpu.memory_space<hbm>>
          %dma_wait3A_337 = arith.constant 9984 : i32
          %dma_wait3A_338 = tpu.memref_slice %arg7[%dma_wait3A_337] : memref<10000xf32, #tpu.memory_space<hbm>> -> memref<16xf32, #tpu.memory_space<hbm>>
          %dma_wait3A_339 = arith.constant 0 : i32
          %dma_wait3A_340 = tpu.memref_slice %arg13[%dma_wait3A_339] : memref<624xf32, #tpu.memory_space<vmem>> -> memref<16xf32, #tpu.memory_space<vmem>>
          tpu.wait_dma2 semaphore(%run_scoped3A : memref<!tpu.dma_semaphore, #tpu.memory_space<semaphore_mem>>) src(%dma_wait3A_340 : memref<16xf32, #tpu.memory_space<vmem>>) dst(%dma_wait3A_338 : memref<16xf32, #tpu.memory_space<hbm>>)
          tpu.yield
        }) : () -> ()
      } else {
      }
    } else {
    }
    return
  }
}

#map = affine_map<(d0, d1) -> (0)>
#map1 = affine_map<(d0, d1) -> (0, 0)>
#map2 = affine_map<(d0, d1) -> (0, 0, 0)>
module attributes {stable_mosaic.version = 14 : i64} {
  func.func @agg_kernel(%arg0: i32, %arg1: i32, %arg2: memref<327680xi32, #tpu.memory_space<hbm>>, %arg3: memref<327680xi32, #tpu.memory_space<hbm>>, %arg4: memref<10016x128xf32, #tpu.memory_space<hbm>>, %arg5: memref<10000x128xf32, #tpu.memory_space<hbm>>, %arg6: memref<2x10000x128xf32, #tpu.memory_space<hbm>>, %arg7: memref<10240xi32, #tpu.memory_space<vmem>>, %arg8: memref<10240xi32, #tpu.memory_space<vmem>>, %arg9: memref<80xi32, #tpu.memory_space<vmem>>, %arg10: memref<80xi32, #tpu.memory_space<vmem>>, %arg11: memref<80x128xf32, #tpu.memory_space<vmem>>, %arg12: memref<80x128xf32, #tpu.memory_space<vmem>>, %arg13: memref<10000x128xf32, #tpu.memory_space<vmem_shared>>, %arg14: memref<!tpu.dma_semaphore, #tpu.memory_space<semaphore_mem>>, %arg15: memref<!tpu.dma_semaphore, #tpu.memory_space<semaphore_mem>>) attributes {dimension_semantics = [#tpu.dimension_semantics<core_parallel>, #tpu.dimension_semantics<subcore_parallel>], iteration_bounds = array<i64: 2, 16>, scalar_prefetch = 0 : i64, scratch_operands = 9 : i64, tpu.core_type = #tpu.core_type<sc_vector_subcore>, window_params = [{transform_indices = #map}, {transform_indices = #map}, {transform_indices = #map1}, {transform_indices = #map1}, {transform_indices = #map2}]} {
    %mul3A = arith.constant 2 : i32
    %mul3A_0 = arith.muli %arg1, %mul3A : i32
    %add3A = arith.addi %mul3A_0, %arg0 : i32
    %mul3A_1 = arith.constant 10240 : i32
    %mul3A_2 = arith.muli %add3A, %mul3A_1 : i32
    "tpu.region"() ({
      %run_scoped3A = tpu.sem_alloc : memref<!tpu.dma_semaphore, #tpu.memory_space<semaphore_mem>>
      %dma_start3A_26 = tpu.memref_slice %arg2[%mul3A_2] : memref<327680xi32, #tpu.memory_space<hbm>> -> memref<10240xi32, #tpu.memory_space<hbm>>
      %dma_start3A_27 = tpu.memref_slice %arg2[%mul3A_2] : memref<327680xi32, #tpu.memory_space<hbm>> -> memref<10240xi32, #tpu.memory_space<hbm>>
      tpu.enqueue_dma source(%dma_start3A_27 : memref<10240xi32, #tpu.memory_space<hbm>>) target(%arg7 : memref<10240xi32, #tpu.memory_space<vmem>>) target_semaphore(%run_scoped3A : memref<!tpu.dma_semaphore, #tpu.memory_space<semaphore_mem>>)
      %dma_wait3A = tpu.memref_slice %arg2[%mul3A_2] : memref<327680xi32, #tpu.memory_space<hbm>> -> memref<10240xi32, #tpu.memory_space<hbm>>
      %dma_wait3A_28 = tpu.memref_slice %arg2[%mul3A_2] : memref<327680xi32, #tpu.memory_space<hbm>> -> memref<10240xi32, #tpu.memory_space<hbm>>
      tpu.wait_dma2 semaphore(%run_scoped3A : memref<!tpu.dma_semaphore, #tpu.memory_space<semaphore_mem>>) src(%dma_wait3A_28 : memref<10240xi32, #tpu.memory_space<hbm>>) dst(%arg7 : memref<10240xi32, #tpu.memory_space<vmem>>)
      tpu.yield
    }) : () -> ()
    %mul3A_3 = arith.constant 10240 : i32
    %mul3A_4 = arith.muli %add3A, %mul3A_3 : i32
    "tpu.region"() ({
      %run_scoped3A = tpu.sem_alloc : memref<!tpu.dma_semaphore, #tpu.memory_space<semaphore_mem>>
      %dma_start3A_26 = tpu.memref_slice %arg3[%mul3A_4] : memref<327680xi32, #tpu.memory_space<hbm>> -> memref<10240xi32, #tpu.memory_space<hbm>>
      %dma_start3A_27 = tpu.memref_slice %arg3[%mul3A_4] : memref<327680xi32, #tpu.memory_space<hbm>> -> memref<10240xi32, #tpu.memory_space<hbm>>
      tpu.enqueue_dma source(%dma_start3A_27 : memref<10240xi32, #tpu.memory_space<hbm>>) target(%arg8 : memref<10240xi32, #tpu.memory_space<vmem>>) target_semaphore(%run_scoped3A : memref<!tpu.dma_semaphore, #tpu.memory_space<semaphore_mem>>)
      %dma_wait3A = tpu.memref_slice %arg3[%mul3A_4] : memref<327680xi32, #tpu.memory_space<hbm>> -> memref<10240xi32, #tpu.memory_space<hbm>>
      %dma_wait3A_28 = tpu.memref_slice %arg3[%mul3A_4] : memref<327680xi32, #tpu.memory_space<hbm>> -> memref<10240xi32, #tpu.memory_space<hbm>>
      tpu.wait_dma2 semaphore(%run_scoped3A : memref<!tpu.dma_semaphore, #tpu.memory_space<semaphore_mem>>) src(%dma_wait3A_28 : memref<10240xi32, #tpu.memory_space<hbm>>) dst(%arg8 : memref<10240xi32, #tpu.memory_space<vmem>>)
      tpu.yield
    }) : () -> ()
    %mul3A_5 = arith.constant 624 : i32
    %mul3A_6 = arith.muli %arg1, %mul3A_5 : i32
    "tpu.region"() ({
      %run_scoped3A = tpu.sem_alloc : memref<!tpu.dma_semaphore, #tpu.memory_space<semaphore_mem>>
      %dma_start3A_26 = arith.constant 0 : i32
      %dma_start3A_27 = tpu.memref_slice %arg13[%mul3A_6, %dma_start3A_26] : memref<10000x128xf32, #tpu.memory_space<vmem_shared>> -> memref<624x128xf32, #tpu.memory_space<vmem_shared>>
      %dma_start3A_28 = arith.constant 0 : i32
      %dma_start3A_29 = tpu.memref_slice %arg5[%mul3A_6, %dma_start3A_28] : memref<10000x128xf32, #tpu.memory_space<hbm>> -> memref<624x128xf32, #tpu.memory_space<hbm>>
      tpu.enqueue_dma source(%dma_start3A_29 : memref<624x128xf32, #tpu.memory_space<hbm>>) target(%dma_start3A_27 : memref<624x128xf32, #tpu.memory_space<vmem_shared>>) target_semaphore(%run_scoped3A : memref<!tpu.dma_semaphore, #tpu.memory_space<semaphore_mem>>)
      %dma_wait3A = arith.constant 0 : i32
      %dma_wait3A_30 = tpu.memref_slice %arg13[%mul3A_6, %dma_wait3A] : memref<10000x128xf32, #tpu.memory_space<vmem_shared>> -> memref<624x128xf32, #tpu.memory_space<vmem_shared>>
      %dma_wait3A_31 = arith.constant 0 : i32
      %dma_wait3A_32 = tpu.memref_slice %arg5[%mul3A_6, %dma_wait3A_31] : memref<10000x128xf32, #tpu.memory_space<hbm>> -> memref<624x128xf32, #tpu.memory_space<hbm>>
      tpu.wait_dma2 semaphore(%run_scoped3A : memref<!tpu.dma_semaphore, #tpu.memory_space<semaphore_mem>>) src(%dma_wait3A_32 : memref<624x128xf32, #tpu.memory_space<hbm>>) dst(%dma_wait3A_30 : memref<624x128xf32, #tpu.memory_space<vmem_shared>>)
      tpu.yield
    }) : () -> ()
    %eq3A = arith.constant 15 : i32
    %eq3A_7 = arith.cmpi eq, %arg1, %eq3A : i32
    %convert_element_type3A = arith.extui %eq3A_7 : i1 to i32
    %cond3A = arith.constant 0 : i32
    %cond3A_8 = arith.cmpi ne, %convert_element_type3A, %cond3A : i32
    scf.if %cond3A_8 {
      "tpu.region"() ({
        %run_scoped3A = tpu.sem_alloc : memref<!tpu.dma_semaphore, #tpu.memory_space<semaphore_mem>>
        %dma_start3A_26 = arith.constant 9984 : i32
        %dma_start3A_27 = arith.constant 0 : i32
        %dma_start3A_28 = tpu.memref_slice %arg13[%dma_start3A_26, %dma_start3A_27] : memref<10000x128xf32, #tpu.memory_space<vmem_shared>> -> memref<16x128xf32, #tpu.memory_space<vmem_shared>>
        %dma_start3A_29 = arith.constant 9984 : i32
        %dma_start3A_30 = arith.constant 0 : i32
        %dma_start3A_31 = tpu.memref_slice %arg5[%dma_start3A_29, %dma_start3A_30] : memref<10000x128xf32, #tpu.memory_space<hbm>> -> memref<16x128xf32, #tpu.memory_space<hbm>>
        tpu.enqueue_dma source(%dma_start3A_31 : memref<16x128xf32, #tpu.memory_space<hbm>>) target(%dma_start3A_28 : memref<16x128xf32, #tpu.memory_space<vmem_shared>>) target_semaphore(%run_scoped3A : memref<!tpu.dma_semaphore, #tpu.memory_space<semaphore_mem>>)
        %dma_wait3A = arith.constant 9984 : i32
        %dma_wait3A_32 = arith.constant 0 : i32
        %dma_wait3A_33 = tpu.memref_slice %arg13[%dma_wait3A, %dma_wait3A_32] : memref<10000x128xf32, #tpu.memory_space<vmem_shared>> -> memref<16x128xf32, #tpu.memory_space<vmem_shared>>
        %dma_wait3A_34 = arith.constant 9984 : i32
        %dma_wait3A_35 = arith.constant 0 : i32
        %dma_wait3A_36 = tpu.memref_slice %arg5[%dma_wait3A_34, %dma_wait3A_35] : memref<10000x128xf32, #tpu.memory_space<hbm>> -> memref<16x128xf32, #tpu.memory_space<hbm>>
        tpu.wait_dma2 semaphore(%run_scoped3A : memref<!tpu.dma_semaphore, #tpu.memory_space<semaphore_mem>>) src(%dma_wait3A_36 : memref<16x128xf32, #tpu.memory_space<hbm>>) dst(%dma_wait3A_33 : memref<16x128xf32, #tpu.memory_space<vmem_shared>>)
        tpu.yield
      }) : () -> ()
    } else {
    }
    %barrier3A = arith.constant 0 : index
    tpu.barrier barrier_id(%barrier3A)
    %dma_start3A = arith.constant 0 : i32
    %dma_start3A_9 = tpu.memref_slice %arg7[%dma_start3A] : memref<10240xi32, #tpu.memory_space<vmem>> -> memref<80xi32, #tpu.memory_space<vmem>>
    %dma_start3A_10 = arith.constant 0 : i32
    %dma_start3A_11 = arith.constant 0 : i32
    %dma_start3A_12 = tpu.memref_slice %arg4[%dma_start3A_10, %dma_start3A_11] : memref<10016x128xf32, #tpu.memory_space<hbm>> -> memref<10016x128xf32, #tpu.memory_space<hbm>>
    tpu.enqueue_indirect_dma source(%dma_start3A_12 : memref<10016x128xf32, #tpu.memory_space<hbm>>) target(%arg11 : memref<80x128xf32, #tpu.memory_space<vmem>>) offsets(%dma_start3A_9 : memref<80xi32, #tpu.memory_space<vmem>>) semaphore(%arg14 : memref<!tpu.dma_semaphore, #tpu.memory_space<semaphore_mem>>)
    %scan3A = arith.constant 0 : i32
    %scan3A_13 = arith.constant 0 : i32
    %scan3A_14 = arith.constant 64 : i32
    %scan3A_15 = arith.addi %scan3A_13, %scan3A_14 : i32
    %scan3A_16 = arith.constant 1 : i32
    scf.for %scan3A_26 = %scan3A_13 to %scan3A_15 step %scan3A_16  : i32 {
      %mul3A_27 = arith.constant 2 : i32
      %mul3A_28 = arith.muli %scan3A_26, %mul3A_27 : i32
      %add3A_29 = arith.constant 1 : i32
      %add3A_30 = arith.addi %mul3A_28, %add3A_29 : i32
      %mul3A_31 = arith.constant 80 : i32
      %mul3A_32 = arith.muli %add3A_30, %mul3A_31 : i32
      %dma_start3A_33 = tpu.memref_slice %arg7[%mul3A_32] : memref<10240xi32, #tpu.memory_space<vmem>> -> memref<80xi32, #tpu.memory_space<vmem>>
      %dma_start3A_34 = arith.constant 0 : i32
      %dma_start3A_35 = arith.constant 0 : i32
      %dma_start3A_36 = tpu.memref_slice %arg4[%dma_start3A_34, %dma_start3A_35] : memref<10016x128xf32, #tpu.memory_space<hbm>> -> memref<10016x128xf32, #tpu.memory_space<hbm>>
      tpu.enqueue_indirect_dma source(%dma_start3A_36 : memref<10016x128xf32, #tpu.memory_space<hbm>>) target(%arg12 : memref<80x128xf32, #tpu.memory_space<vmem>>) offsets(%dma_start3A_33 : memref<80xi32, #tpu.memory_space<vmem>>) semaphore(%arg15 : memref<!tpu.dma_semaphore, #tpu.memory_space<semaphore_mem>>)
      %mul3A_37 = arith.constant 80 : i32
      %mul3A_38 = arith.muli %mul3A_28, %mul3A_37 : i32
      %add3A_39 = arith.constant 0 : i32
      %add3A_40 = arith.addi %mul3A_38, %add3A_39 : i32
      %get3A = arith.index_cast %add3A_40 : i32 to index
      %get3A_41 = tpu.vector_load %arg8[%get3A] {strides = array<i32>} : memref<10240xi32, #tpu.memory_space<vmem>>, vector<16xi32>,
      %get3A_42 = vector.shape_cast %get3A_41 : vector<16xi32> to vector<16xi32>
      %min3A = arith.constant 9999 : i32
      %min3A_43 = vector.broadcast %min3A : i32 to vector<16xi32>
      %min3A_44 = arith.minsi %get3A_42, %min3A_43 : vector<16xi32>
      %swap3A = arith.constant 0 : index
      %swap3A_45 = tpu.vector_load %arg9[%swap3A] {strides = array<i32>} : memref<80xi32, #tpu.memory_space<vmem>>, vector<16xi32>,
      %swap3A_46 = vector.shape_cast %swap3A_45 : vector<16xi32> to vector<16xi32>
      %swap3A_47 = vector.shape_cast %min3A_44 : vector<16xi32> to vector<16xi32>
      tpu.vector_store %arg9[%swap3A], %swap3A_47 {strides = array<i32>} : memref<80xi32, #tpu.memory_space<vmem>>, vector<16xi32>,
      %add3A_48 = arith.constant 16 : i32
      %add3A_49 = arith.addi %mul3A_38, %add3A_48 : i32
      %get3A_50 = arith.index_cast %add3A_49 : i32 to index
      %get3A_51 = tpu.vector_load %arg8[%get3A_50] {strides = array<i32>} : memref<10240xi32, #tpu.memory_space<vmem>>, vector<16xi32>,
      %get3A_52 = vector.shape_cast %get3A_51 : vector<16xi32> to vector<16xi32>
      %min3A_53 = arith.constant 9999 : i32
      %min3A_54 = vector.broadcast %min3A_53 : i32 to vector<16xi32>
      %min3A_55 = arith.minsi %get3A_52, %min3A_54 : vector<16xi32>
      %swap3A_56 = arith.constant 16 : index
      %swap3A_57 = tpu.vector_load %arg9[%swap3A_56] {strides = array<i32>} : memref<80xi32, #tpu.memory_space<vmem>>, vector<16xi32>,
      %swap3A_58 = vector.shape_cast %swap3A_57 : vector<16xi32> to vector<16xi32>
      %swap3A_59 = vector.shape_cast %min3A_55 : vector<16xi32> to vector<16xi32>
      tpu.vector_store %arg9[%swap3A_56], %swap3A_59 {strides = array<i32>} : memref<80xi32, #tpu.memory_space<vmem>>, vector<16xi32>,
      %add3A_60 = arith.constant 32 : i32
      %add3A_61 = arith.addi %mul3A_38, %add3A_60 : i32
      %get3A_62 = arith.index_cast %add3A_61 : i32 to index
      %get3A_63 = tpu.vector_load %arg8[%get3A_62] {strides = array<i32>} : memref<10240xi32, #tpu.memory_space<vmem>>, vector<16xi32>,
      %get3A_64 = vector.shape_cast %get3A_63 : vector<16xi32> to vector<16xi32>
      %min3A_65 = arith.constant 9999 : i32
      %min3A_66 = vector.broadcast %min3A_65 : i32 to vector<16xi32>
      %min3A_67 = arith.minsi %get3A_64, %min3A_66 : vector<16xi32>
      %swap3A_68 = arith.constant 32 : index
      %swap3A_69 = tpu.vector_load %arg9[%swap3A_68] {strides = array<i32>} : memref<80xi32, #tpu.memory_space<vmem>>, vector<16xi32>,
      %swap3A_70 = vector.shape_cast %swap3A_69 : vector<16xi32> to vector<16xi32>
      %swap3A_71 = vector.shape_cast %min3A_67 : vector<16xi32> to vector<16xi32>
      tpu.vector_store %arg9[%swap3A_68], %swap3A_71 {strides = array<i32>} : memref<80xi32, #tpu.memory_space<vmem>>, vector<16xi32>,
      %add3A_72 = arith.constant 48 : i32
      %add3A_73 = arith.addi %mul3A_38, %add3A_72 : i32
      %get3A_74 = arith.index_cast %add3A_73 : i32 to index
      %get3A_75 = tpu.vector_load %arg8[%get3A_74] {strides = array<i32>} : memref<10240xi32, #tpu.memory_space<vmem>>, vector<16xi32>,
      %get3A_76 = vector.shape_cast %get3A_75 : vector<16xi32> to vector<16xi32>
      %min3A_77 = arith.constant 9999 : i32
      %min3A_78 = vector.broadcast %min3A_77 : i32 to vector<16xi32>
      %min3A_79 = arith.minsi %get3A_76, %min3A_78 : vector<16xi32>
      %swap3A_80 = arith.constant 48 : index
      %swap3A_81 = tpu.vector_load %arg9[%swap3A_80] {strides = array<i32>} : memref<80xi32, #tpu.memory_space<vmem>>, vector<16xi32>,
      %swap3A_82 = vector.shape_cast %swap3A_81 : vector<16xi32> to vector<16xi32>
      %swap3A_83 = vector.shape_cast %min3A_79 : vector<16xi32> to vector<16xi32>
      tpu.vector_store %arg9[%swap3A_80], %swap3A_83 {strides = array<i32>} : memref<80xi32, #tpu.memory_space<vmem>>, vector<16xi32>,
      %add3A_84 = arith.constant 64 : i32
      %add3A_85 = arith.addi %mul3A_38, %add3A_84 : i32
      %get3A_86 = arith.index_cast %add3A_85 : i32 to index
      %get3A_87 = tpu.vector_load %arg8[%get3A_86] {strides = array<i32>} : memref<10240xi32, #tpu.memory_space<vmem>>, vector<16xi32>,
      %get3A_88 = vector.shape_cast %get3A_87 : vector<16xi32> to vector<16xi32>
      %min3A_89 = arith.constant 9999 : i32
      %min3A_90 = vector.broadcast %min3A_89 : i32 to vector<16xi32>
      %min3A_91 = arith.minsi %get3A_88, %min3A_90 : vector<16xi32>
      %swap3A_92 = arith.constant 64 : index
      %swap3A_93 = tpu.vector_load %arg9[%swap3A_92] {strides = array<i32>} : memref<80xi32, #tpu.memory_space<vmem>>, vector<16xi32>,
      %swap3A_94 = vector.shape_cast %swap3A_93 : vector<16xi32> to vector<16xi32>
      %swap3A_95 = vector.shape_cast %min3A_91 : vector<16xi32> to vector<16xi32>
      tpu.vector_store %arg9[%swap3A_92], %swap3A_95 {strides = array<i32>} : memref<80xi32, #tpu.memory_space<vmem>>, vector<16xi32>,
      %mul3A_96 = arith.constant 80 : i32
      %mul3A_97 = arith.muli %mul3A_28, %mul3A_96 : i32
      %dma_wait3A = tpu.memref_slice %arg7[%mul3A_97] : memref<10240xi32, #tpu.memory_space<vmem>> -> memref<80xi32, #tpu.memory_space<vmem>>
      %dma_wait3A_98 = arith.constant 0 : i32
      %dma_wait3A_99 = arith.constant 0 : i32
      %dma_wait3A_100 = tpu.memref_slice %arg4[%dma_wait3A_98, %dma_wait3A_99] : memref<10016x128xf32, #tpu.memory_space<hbm>> -> memref<10016x128xf32, #tpu.memory_space<hbm>>
      tpu.wait_indirect_dma semaphore(%arg14 : memref<!tpu.dma_semaphore, #tpu.memory_space<semaphore_mem>>) src(%dma_wait3A_100 : memref<10016x128xf32, #tpu.memory_space<hbm>>) dst(%arg11 : memref<80x128xf32, #tpu.memory_space<vmem>>)
      "tpu.region"() ({
        %run_scoped3A = tpu.sem_alloc : memref<!tpu.dma_semaphore, #tpu.memory_space<semaphore_mem>>
        %dma_start3A_177 = arith.constant 0 : i32
        %dma_start3A_178 = arith.constant 0 : i32
        %dma_start3A_179 = tpu.memref_slice %arg13[%dma_start3A_177, %dma_start3A_178] : memref<10000x128xf32, #tpu.memory_space<vmem_shared>> -> memref<10000x128xf32, #tpu.memory_space<vmem_shared>>
        tpu.enqueue_indirect_dma source(%arg11 : memref<80x128xf32, #tpu.memory_space<vmem>>) target(%dma_start3A_179 : memref<10000x128xf32, #tpu.memory_space<vmem_shared>>) offsets(%arg9 : memref<80xi32, #tpu.memory_space<vmem>>) semaphore(%run_scoped3A : memref<!tpu.dma_semaphore, #tpu.memory_space<semaphore_mem>>) {add = true}
        %dma_wait3A_180 = arith.constant 0 : i32
        %dma_wait3A_181 = arith.constant 0 : i32
        %dma_wait3A_182 = tpu.memref_slice %arg13[%dma_wait3A_180, %dma_wait3A_181] : memref<10000x128xf32, #tpu.memory_space<vmem_shared>> -> memref<10000x128xf32, #tpu.memory_space<vmem_shared>>
        tpu.wait_indirect_dma semaphore(%run_scoped3A : memref<!tpu.dma_semaphore, #tpu.memory_space<semaphore_mem>>) src(%arg11 : memref<80x128xf32, #tpu.memory_space<vmem>>) dst(%dma_wait3A_182 : memref<10000x128xf32, #tpu.memory_space<vmem_shared>>)
        tpu.yield
      }) : () -> ()
      %lt3A = arith.constant 63 : i32
      %lt3A_101 = arith.cmpi slt, %scan3A_26, %lt3A : i32
      %convert_element_type3A_102 = arith.extui %lt3A_101 : i1 to i32
      %cond3A_103 = arith.constant 0 : i32
      %cond3A_104 = arith.cmpi ne, %convert_element_type3A_102, %cond3A_103 : i32
      scf.if %cond3A_104 {
        %add3A_177 = arith.constant 2 : i32
        %add3A_178 = arith.addi %mul3A_28, %add3A_177 : i32
        %mul3A_179 = arith.constant 80 : i32
        %mul3A_180 = arith.muli %add3A_178, %mul3A_179 : i32
        %dma_start3A_181 = tpu.memref_slice %arg7[%mul3A_180] : memref<10240xi32, #tpu.memory_space<vmem>> -> memref<80xi32, #tpu.memory_space<vmem>>
        %dma_start3A_182 = arith.constant 0 : i32
        %dma_start3A_183 = arith.constant 0 : i32
        %dma_start3A_184 = tpu.memref_slice %arg4[%dma_start3A_182, %dma_start3A_183] : memref<10016x128xf32, #tpu.memory_space<hbm>> -> memref<10016x128xf32, #tpu.memory_space<hbm>>
        tpu.enqueue_indirect_dma source(%dma_start3A_184 : memref<10016x128xf32, #tpu.memory_space<hbm>>) target(%arg11 : memref<80x128xf32, #tpu.memory_space<vmem>>) offsets(%dma_start3A_181 : memref<80xi32, #tpu.memory_space<vmem>>) semaphore(%arg14 : memref<!tpu.dma_semaphore, #tpu.memory_space<semaphore_mem>>)
      } else {
      }
      %add3A_105 = arith.constant 1 : i32
      %add3A_106 = arith.addi %mul3A_28, %add3A_105 : i32
      %mul3A_107 = arith.constant 80 : i32
      %mul3A_108 = arith.muli %add3A_106, %mul3A_107 : i32
      %add3A_109 = arith.constant 0 : i32
      %add3A_110 = arith.addi %mul3A_108, %add3A_109 : i32
      %get3A_111 = arith.index_cast %add3A_110 : i32 to index
      %get3A_112 = tpu.vector_load %arg8[%get3A_111] {strides = array<i32>} : memref<10240xi32, #tpu.memory_space<vmem>>, vector<16xi32>,
      %get3A_113 = vector.shape_cast %get3A_112 : vector<16xi32> to vector<16xi32>
      %min3A_114 = arith.constant 9999 : i32
      %min3A_115 = vector.broadcast %min3A_114 : i32 to vector<16xi32>
      %min3A_116 = arith.minsi %get3A_113, %min3A_115 : vector<16xi32>
      %swap3A_117 = arith.constant 0 : index
      %swap3A_118 = tpu.vector_load %arg10[%swap3A_117] {strides = array<i32>} : memref<80xi32, #tpu.memory_space<vmem>>, vector<16xi32>,
      %swap3A_119 = vector.shape_cast %swap3A_118 : vector<16xi32> to vector<16xi32>
      %swap3A_120 = vector.shape_cast %min3A_116 : vector<16xi32> to vector<16xi32>
      tpu.vector_store %arg10[%swap3A_117], %swap3A_120 {strides = array<i32>} : memref<80xi32, #tpu.memory_space<vmem>>, vector<16xi32>,
      %add3A_121 = arith.constant 16 : i32
      %add3A_122 = arith.addi %mul3A_108, %add3A_121 : i32
      %get3A_123 = arith.index_cast %add3A_122 : i32 to index
      %get3A_124 = tpu.vector_load %arg8[%get3A_123] {strides = array<i32>} : memref<10240xi32, #tpu.memory_space<vmem>>, vector<16xi32>,
      %get3A_125 = vector.shape_cast %get3A_124 : vector<16xi32> to vector<16xi32>
      %min3A_126 = arith.constant 9999 : i32
      %min3A_127 = vector.broadcast %min3A_126 : i32 to vector<16xi32>
      %min3A_128 = arith.minsi %get3A_125, %min3A_127 : vector<16xi32>
      %swap3A_129 = arith.constant 16 : index
      %swap3A_130 = tpu.vector_load %arg10[%swap3A_129] {strides = array<i32>} : memref<80xi32, #tpu.memory_space<vmem>>, vector<16xi32>,
      %swap3A_131 = vector.shape_cast %swap3A_130 : vector<16xi32> to vector<16xi32>
      %swap3A_132 = vector.shape_cast %min3A_128 : vector<16xi32> to vector<16xi32>
      tpu.vector_store %arg10[%swap3A_129], %swap3A_132 {strides = array<i32>} : memref<80xi32, #tpu.memory_space<vmem>>, vector<16xi32>,
      %add3A_133 = arith.constant 32 : i32
      %add3A_134 = arith.addi %mul3A_108, %add3A_133 : i32
      %get3A_135 = arith.index_cast %add3A_134 : i32 to index
      %get3A_136 = tpu.vector_load %arg8[%get3A_135] {strides = array<i32>} : memref<10240xi32, #tpu.memory_space<vmem>>, vector<16xi32>,
      %get3A_137 = vector.shape_cast %get3A_136 : vector<16xi32> to vector<16xi32>
      %min3A_138 = arith.constant 9999 : i32
      %min3A_139 = vector.broadcast %min3A_138 : i32 to vector<16xi32>
      %min3A_140 = arith.minsi %get3A_137, %min3A_139 : vector<16xi32>
      %swap3A_141 = arith.constant 32 : index
      %swap3A_142 = tpu.vector_load %arg10[%swap3A_141] {strides = array<i32>} : memref<80xi32, #tpu.memory_space<vmem>>, vector<16xi32>,
      %swap3A_143 = vector.shape_cast %swap3A_142 : vector<16xi32> to vector<16xi32>
      %swap3A_144 = vector.shape_cast %min3A_140 : vector<16xi32> to vector<16xi32>
      tpu.vector_store %arg10[%swap3A_141], %swap3A_144 {strides = array<i32>} : memref<80xi32, #tpu.memory_space<vmem>>, vector<16xi32>,
      %add3A_145 = arith.constant 48 : i32
      %add3A_146 = arith.addi %mul3A_108, %add3A_145 : i32
      %get3A_147 = arith.index_cast %add3A_146 : i32 to index
      %get3A_148 = tpu.vector_load %arg8[%get3A_147] {strides = array<i32>} : memref<10240xi32, #tpu.memory_space<vmem>>, vector<16xi32>,
      %get3A_149 = vector.shape_cast %get3A_148 : vector<16xi32> to vector<16xi32>
      %min3A_150 = arith.constant 9999 : i32
      %min3A_151 = vector.broadcast %min3A_150 : i32 to vector<16xi32>
      %min3A_152 = arith.minsi %get3A_149, %min3A_151 : vector<16xi32>
      %swap3A_153 = arith.constant 48 : index
      %swap3A_154 = tpu.vector_load %arg10[%swap3A_153] {strides = array<i32>} : memref<80xi32, #tpu.memory_space<vmem>>, vector<16xi32>,
      %swap3A_155 = vector.shape_cast %swap3A_154 : vector<16xi32> to vector<16xi32>
      %swap3A_156 = vector.shape_cast %min3A_152 : vector<16xi32> to vector<16xi32>
      tpu.vector_store %arg10[%swap3A_153], %swap3A_156 {strides = array<i32>} : memref<80xi32, #tpu.memory_space<vmem>>, vector<16xi32>,
      %add3A_157 = arith.constant 64 : i32
      %add3A_158 = arith.addi %mul3A_108, %add3A_157 : i32
      %get3A_159 = arith.index_cast %add3A_158 : i32 to index
      %get3A_160 = tpu.vector_load %arg8[%get3A_159] {strides = array<i32>} : memref<10240xi32, #tpu.memory_space<vmem>>, vector<16xi32>,
      %get3A_161 = vector.shape_cast %get3A_160 : vector<16xi32> to vector<16xi32>
      %min3A_162 = arith.constant 9999 : i32
      %min3A_163 = vector.broadcast %min3A_162 : i32 to vector<16xi32>
      %min3A_164 = arith.minsi %get3A_161, %min3A_163 : vector<16xi32>
      %swap3A_165 = arith.constant 64 : index
      %swap3A_166 = tpu.vector_load %arg10[%swap3A_165] {strides = array<i32>} : memref<80xi32, #tpu.memory_space<vmem>>, vector<16xi32>,
      %swap3A_167 = vector.shape_cast %swap3A_166 : vector<16xi32> to vector<16xi32>
      %swap3A_168 = vector.shape_cast %min3A_164 : vector<16xi32> to vector<16xi32>
      tpu.vector_store %arg10[%swap3A_165], %swap3A_168 {strides = array<i32>} : memref<80xi32, #tpu.memory_space<vmem>>, vector<16xi32>,
      %add3A_169 = arith.constant 1 : i32
      %add3A_170 = arith.addi %mul3A_28, %add3A_169 : i32
      %mul3A_171 = arith.constant 80 : i32
      %mul3A_172 = arith.muli %add3A_170, %mul3A_171 : i32
      %dma_wait3A_173 = tpu.memref_slice %arg7[%mul3A_172] : memref<10240xi32, #tpu.memory_space<vmem>> -> memref<80xi32, #tpu.memory_space<vmem>>
      %dma_wait3A_174 = arith.constant 0 : i32
      %dma_wait3A_175 = arith.constant 0 : i32
      %dma_wait3A_176 = tpu.memref_slice %arg4[%dma_wait3A_174, %dma_wait3A_175] : memref<10016x128xf32, #tpu.memory_space<hbm>> -> memref<10016x128xf32, #tpu.memory_space<hbm>>
      tpu.wait_indirect_dma semaphore(%arg15 : memref<!tpu.dma_semaphore, #tpu.memory_space<semaphore_mem>>) src(%dma_wait3A_176 : memref<10016x128xf32, #tpu.memory_space<hbm>>) dst(%arg12 : memref<80x128xf32, #tpu.memory_space<vmem>>)
      "tpu.region"() ({
        %run_scoped3A = tpu.sem_alloc : memref<!tpu.dma_semaphore, #tpu.memory_space<semaphore_mem>>
        %dma_start3A_177 = arith.constant 0 : i32
        %dma_start3A_178 = arith.constant 0 : i32
        %dma_start3A_179 = tpu.memref_slice %arg13[%dma_start3A_177, %dma_start3A_178] : memref<10000x128xf32, #tpu.memory_space<vmem_shared>> -> memref<10000x128xf32, #tpu.memory_space<vmem_shared>>
        tpu.enqueue_indirect_dma source(%arg12 : memref<80x128xf32, #tpu.memory_space<vmem>>) target(%dma_start3A_179 : memref<10000x128xf32, #tpu.memory_space<vmem_shared>>) offsets(%arg10 : memref<80xi32, #tpu.memory_space<vmem>>) semaphore(%run_scoped3A : memref<!tpu.dma_semaphore, #tpu.memory_space<semaphore_mem>>) {add = true}
        %dma_wait3A_180 = arith.constant 0 : i32
        %dma_wait3A_181 = arith.constant 0 : i32
        %dma_wait3A_182 = tpu.memref_slice %arg13[%dma_wait3A_180, %dma_wait3A_181] : memref<10000x128xf32, #tpu.memory_space<vmem_shared>> -> memref<10000x128xf32, #tpu.memory_space<vmem_shared>>
        tpu.wait_indirect_dma semaphore(%run_scoped3A : memref<!tpu.dma_semaphore, #tpu.memory_space<semaphore_mem>>) src(%arg12 : memref<80x128xf32, #tpu.memory_space<vmem>>) dst(%dma_wait3A_182 : memref<10000x128xf32, #tpu.memory_space<vmem_shared>>)
        tpu.yield
      }) : () -> ()
    }
    %scan3A_17 = arith.constant 64 : i32
    %barrier3A_18 = arith.constant 0 : index
    tpu.barrier barrier_id(%barrier3A_18)
    %mul3A_19 = arith.constant 624 : i32
    %mul3A_20 = arith.muli %arg1, %mul3A_19 : i32
    "tpu.region"() ({
      %run_scoped3A = tpu.sem_alloc : memref<!tpu.dma_semaphore, #tpu.memory_space<semaphore_mem>>
      %dma_start3A_26 = arith.constant 0 : i32
      %dma_start3A_27 = tpu.memref_slice %arg6[%arg0, %mul3A_20, %dma_start3A_26] : memref<2x10000x128xf32, #tpu.memory_space<hbm>> -> memref<1x624x128xf32, #tpu.memory_space<hbm>>
      %dma_start3A_28 = tpu.memref_squeeze %dma_start3A_27 : memref<1x624x128xf32, #tpu.memory_space<hbm>> -> memref<624x128xf32, #tpu.memory_space<hbm>>
      %dma_start3A_29 = arith.constant 0 : i32
      %dma_start3A_30 = tpu.memref_slice %arg13[%mul3A_20, %dma_start3A_29] : memref<10000x128xf32, #tpu.memory_space<vmem_shared>> -> memref<624x128xf32, #tpu.memory_space<vmem_shared>>
      tpu.enqueue_dma source(%dma_start3A_30 : memref<624x128xf32, #tpu.memory_space<vmem_shared>>) target(%dma_start3A_28 : memref<624x128xf32, #tpu.memory_space<hbm>>) target_semaphore(%run_scoped3A : memref<!tpu.dma_semaphore, #tpu.memory_space<semaphore_mem>>)
      %dma_wait3A = arith.constant 0 : i32
      %dma_wait3A_31 = tpu.memref_slice %arg6[%arg0, %mul3A_20, %dma_wait3A] : memref<2x10000x128xf32, #tpu.memory_space<hbm>> -> memref<1x624x128xf32, #tpu.memory_space<hbm>>
      %dma_wait3A_32 = tpu.memref_squeeze %dma_wait3A_31 : memref<1x624x128xf32, #tpu.memory_space<hbm>> -> memref<624x128xf32, #tpu.memory_space<hbm>>
      %dma_wait3A_33 = arith.constant 0 : i32
      %dma_wait3A_34 = tpu.memref_slice %arg13[%mul3A_20, %dma_wait3A_33] : memref<10000x128xf32, #tpu.memory_space<vmem_shared>> -> memref<624x128xf32, #tpu.memory_space<vmem_shared>>
      tpu.wait_dma2 semaphore(%run_scoped3A : memref<!tpu.dma_semaphore, #tpu.memory_space<semaphore_mem>>) src(%dma_wait3A_34 : memref<624x128xf32, #tpu.memory_space<vmem_shared>>) dst(%dma_wait3A_32 : memref<624x128xf32, #tpu.memory_space<hbm>>)
      tpu.yield
    }) : () -> ()
    %eq3A_21 = arith.constant 15 : i32
    %eq3A_22 = arith.cmpi eq, %arg1, %eq3A_21 : i32
    %convert_element_type3A_23 = arith.extui %eq3A_22 : i1 to i32
    %cond3A_24 = arith.constant 0 : i32
    %cond3A_25 = arith.cmpi ne, %convert_element_type3A_23, %cond3A_24 : i32
    scf.if %cond3A_25 {
      "tpu.region"() ({
        %run_scoped3A = tpu.sem_alloc : memref<!tpu.dma_semaphore, #tpu.memory_space<semaphore_mem>>
        %dma_start3A_26 = arith.constant 9984 : i32
        %dma_start3A_27 = arith.constant 0 : i32
        %dma_start3A_28 = tpu.memref_slice %arg6[%arg0, %dma_start3A_26, %dma_start3A_27] : memref<2x10000x128xf32, #tpu.memory_space<hbm>> -> memref<1x16x128xf32, #tpu.memory_space<hbm>>
        %dma_start3A_29 = tpu.memref_squeeze %dma_start3A_28 : memref<1x16x128xf32, #tpu.memory_space<hbm>> -> memref<16x128xf32, #tpu.memory_space<hbm>>
        %dma_start3A_30 = arith.constant 9984 : i32
        %dma_start3A_31 = arith.constant 0 : i32
        %dma_start3A_32 = tpu.memref_slice %arg13[%dma_start3A_30, %dma_start3A_31] : memref<10000x128xf32, #tpu.memory_space<vmem_shared>> -> memref<16x128xf32, #tpu.memory_space<vmem_shared>>
        tpu.enqueue_dma source(%dma_start3A_32 : memref<16x128xf32, #tpu.memory_space<vmem_shared>>) target(%dma_start3A_29 : memref<16x128xf32, #tpu.memory_space<hbm>>) target_semaphore(%run_scoped3A : memref<!tpu.dma_semaphore, #tpu.memory_space<semaphore_mem>>)
        %dma_wait3A = arith.constant 9984 : i32
        %dma_wait3A_33 = arith.constant 0 : i32
        %dma_wait3A_34 = tpu.memref_slice %arg6[%arg0, %dma_wait3A, %dma_wait3A_33] : memref<2x10000x128xf32, #tpu.memory_space<hbm>> -> memref<1x16x128xf32, #tpu.memory_space<hbm>>
        %dma_wait3A_35 = tpu.memref_squeeze %dma_wait3A_34 : memref<1x16x128xf32, #tpu.memory_space<hbm>> -> memref<16x128xf32, #tpu.memory_space<hbm>>
        %dma_wait3A_36 = arith.constant 9984 : i32
        %dma_wait3A_37 = arith.constant 0 : i32
        %dma_wait3A_38 = tpu.memref_slice %arg13[%dma_wait3A_36, %dma_wait3A_37] : memref<10000x128xf32, #tpu.memory_space<vmem_shared>> -> memref<16x128xf32, #tpu.memory_space<vmem_shared>>
        tpu.wait_dma2 semaphore(%run_scoped3A : memref<!tpu.dma_semaphore, #tpu.memory_space<semaphore_mem>>) src(%dma_wait3A_38 : memref<16x128xf32, #tpu.memory_space<vmem_shared>>) dst(%dma_wait3A_35 : memref<16x128xf32, #tpu.memory_space<hbm>>)
        tpu.yield
      }) : () -> ()
    } else {
    }
    return
  }
}

module attributes {stable_mosaic.version = 14 : i64} {
  func.func @_matmul_norm_kernel(%arg0: i32, %arg1: memref<1000x128xf32, #tpu.memory_space<vmem>>, %arg2: memref<128x128xf32, #tpu.memory_space<vmem>>, %arg3: memref<1000x1xf32, #tpu.memory_space<vmem>>, %arg4: memref<1000x1xf32, #tpu.memory_space<vmem>>, %arg5: memref<1000x128xf32, #tpu.memory_space<vmem>>) attributes {dimension_semantics = [#tpu.dimension_semantics<arbitrary>], iteration_bounds = array<i64: 10>, scalar_prefetch = 0 : i64, scratch_operands = 0 : i64, tpu.core_type = #tpu.core_type<tc>, window_params = [{transform_indices = @transform_0, window_bounds = array<i64: 1000, 128>}, {pipeline_mode = #tpu.pipeline_mode<synchronous>, transform_indices = @transform_1, window_bounds = array<i64: 128, 128>}, {transform_indices = @transform_2, window_bounds = array<i64: 1000, 1>}, {transform_indices = @transform_3, window_bounds = array<i64: 1000, 1>}, {transform_indices = @transform_4, window_bounds = array<i64: 1000, 128>}]} {
    %get3A = arith.constant 0 : index
    %get3A_0 = arith.constant 0 : index
    %get3A_1 = vector.load %arg3[%get3A, %get3A_0] : memref<1000x1xf32, #tpu.memory_space<vmem>>, vector<1000x1xf32>
    %get3A_2 = arith.constant 0 : index
    %get3A_3 = arith.constant 0 : index
    %get3A_4 = vector.load %arg4[%get3A_2, %get3A_3] : memref<1000x1xf32, #tpu.memory_space<vmem>>, vector<1000x1xf32>
    %add3A = arith.addf %get3A_1, %get3A_4 : vector<1000x1xf32>
    %max3A = arith.constant 1.000000e+00 : f32
    %max3A_5 = vector.broadcast %max3A : f32 to vector<1000x1xf32>
    %max3A_6 = arith.maximumf %add3A, %max3A_5 : vector<1000x1xf32>
    %rsqrt3A = math.rsqrt %max3A_6 : vector<1000x1xf32>
    %get3A_7 = arith.constant 0 : index
    %get3A_8 = arith.constant 0 : index
    %get3A_9 = vector.load %arg1[%get3A_7, %get3A_8] : memref<1000x128xf32, #tpu.memory_space<vmem>>, vector<1000x128xf32>
    %get3A_10 = arith.constant 0 : index
    %get3A_11 = arith.constant 0 : index
    %get3A_12 = vector.load %arg2[%get3A_10, %get3A_11] : memref<128x128xf32, #tpu.memory_space<vmem>>, vector<128x128xf32>
    %dot_general3A = arith.constant dense<0.000000e+00> : vector<1000x128xf32>
    %dot_general3A_13 = tpu.matmul %get3A_9, %get3A_12, %dot_general3A {dimension_numbers = #tpu.dot_dimension_numbers<[1], [0], [0], [1], [0, 0, 1, 1], [], []>, transpose_lhs_hint = false} : vector<1000x128xf32>, vector<128x128xf32>, vector<1000x128xf32> -> vector<1000x128xf32>
    %mul3A = vector.broadcast %rsqrt3A : vector<1000x1xf32> to vector<1000x128xf32>
    %mul3A_14 = arith.mulf %dot_general3A_13, %mul3A : vector<1000x128xf32>
    %swap3A = arith.constant 0 : index
    %swap3A_15 = arith.constant 0 : index
    %swap3A_16 = vector.load %arg5[%swap3A, %swap3A_15] : memref<1000x128xf32, #tpu.memory_space<vmem>>, vector<1000x128xf32>
    tpu.vector_store %arg5[%swap3A, %swap3A_15], %mul3A_14 {strides = array<i32>} : memref<1000x128xf32, #tpu.memory_space<vmem>>, vector<1000x128xf32>,
    return
  }
  func.func @transform_0(%arg0: i32) -> (i32, i32) {
    %c0_i32 = arith.constant 0 : i32
    %c0_i32_0 = arith.constant 0 : i32
    return %arg0, %c0_i32 : i32, i32
  }
  func.func @transform_1(%arg0: i32) -> (i32, i32) {
    %c0_i32 = arith.constant 0 : i32
    %c0_i32_0 = arith.constant 0 : i32
    %c0_i32_1 = arith.constant 0 : i32
    return %c0_i32, %c0_i32_0 : i32, i32
  }
  func.func @transform_2(%arg0: i32) -> (i32, i32) {
    %c0_i32 = arith.constant 0 : i32
    %c0_i32_0 = arith.constant 0 : i32
    return %arg0, %c0_i32 : i32, i32
  }
  func.func @transform_3(%arg0: i32) -> (i32, i32) {
    %c0_i32 = arith.constant 0 : i32
    %c0_i32_0 = arith.constant 0 : i32
    return %arg0, %c0_i32 : i32, i32
  }
  func.func @transform_4(%arg0: i32) -> (i32, i32) {
    %c0_i32 = arith.constant 0 : i32
    %c0_i32_0 = arith.constant 0 : i32
    return %arg0, %c0_i32 : i32, i32
  }
}

module attributes {stable_mosaic.version = 14 : i64} {
  func.func @_finalize_kernel(%arg0: i32, %arg1: memref<2x1000x128xf32, #tpu.memory_space<vmem>>, %arg2: memref<1000x1xf32, #tpu.memory_space<vmem>>, %arg3: memref<1000x1xf32, #tpu.memory_space<vmem>>, %arg4: memref<1x128xf32, #tpu.memory_space<vmem>>, %arg5: memref<1000x128xf32, #tpu.memory_space<vmem>>) attributes {dimension_semantics = [#tpu.dimension_semantics<arbitrary>], iteration_bounds = array<i64: 10>, scalar_prefetch = 0 : i64, scratch_operands = 0 : i64, tpu.core_type = #tpu.core_type<tc>, window_params = [{transform_indices = @transform_0, window_bounds = array<i64: 2, 1000, 128>}, {transform_indices = @transform_1, window_bounds = array<i64: 1000, 1>}, {transform_indices = @transform_2, window_bounds = array<i64: 1000, 1>}, {pipeline_mode = #tpu.pipeline_mode<synchronous>, transform_indices = @transform_3, window_bounds = array<i64: 1, 128>}, {transform_indices = @transform_4, window_bounds = array<i64: 1000, 128>}]} {
    %get3A = arith.constant 0 : index
    %get3A_0 = arith.constant 0 : index
    %get3A_1 = arith.constant 0 : index
    %get3A_2 = vector.load %arg1[%get3A, %get3A_0, %get3A_1] : memref<2x1000x128xf32, #tpu.memory_space<vmem>>, vector<1x1000x128xf32>
    %get3A_3 = vector.shape_cast %get3A_2 : vector<1x1000x128xf32> to vector<1000x128xf32>
    %get3A_4 = arith.constant 1 : index
    %get3A_5 = arith.constant 0 : index
    %get3A_6 = arith.constant 0 : index
    %get3A_7 = vector.load %arg1[%get3A_4, %get3A_5, %get3A_6] : memref<2x1000x128xf32, #tpu.memory_space<vmem>>, vector<1x1000x128xf32>
    %get3A_8 = vector.shape_cast %get3A_7 : vector<1x1000x128xf32> to vector<1000x128xf32>
    %add3A = arith.addf %get3A_3, %get3A_8 : vector<1000x128xf32>
    %get3A_9 = arith.constant 0 : index
    %get3A_10 = arith.constant 0 : index
    %get3A_11 = vector.load %arg2[%get3A_9, %get3A_10] : memref<1000x1xf32, #tpu.memory_space<vmem>>, vector<1000x1xf32>
    %get3A_12 = arith.constant 0 : index
    %get3A_13 = arith.constant 0 : index
    %get3A_14 = vector.load %arg3[%get3A_12, %get3A_13] : memref<1000x1xf32, #tpu.memory_space<vmem>>, vector<1000x1xf32>
    %add3A_15 = arith.addf %get3A_11, %get3A_14 : vector<1000x1xf32>
    %max3A = arith.constant 1.000000e+00 : f32
    %max3A_16 = vector.broadcast %max3A : f32 to vector<1000x1xf32>
    %max3A_17 = arith.maximumf %add3A_15, %max3A_16 : vector<1000x1xf32>
    %rsqrt3A = math.rsqrt %max3A_17 : vector<1000x1xf32>
    %mul3A = vector.broadcast %rsqrt3A : vector<1000x1xf32> to vector<1000x128xf32>
    %mul3A_18 = arith.mulf %add3A, %mul3A : vector<1000x128xf32>
    %get3A_19 = arith.constant 0 : index
    %get3A_20 = arith.constant 0 : index
    %get3A_21 = vector.load %arg4[%get3A_19, %get3A_20] : memref<1x128xf32, #tpu.memory_space<vmem>>, vector<1x128xf32>
    %add3A_22 = vector.broadcast %get3A_21 : vector<1x128xf32> to vector<1000x128xf32>
    %add3A_23 = arith.addf %mul3A_18, %add3A_22 : vector<1000x128xf32>
    %max3A_24 = arith.constant 0.000000e+00 : f32
    %max3A_25 = vector.broadcast %max3A_24 : f32 to vector<1000x128xf32>
    %max3A_26 = arith.maximumf %add3A_23, %max3A_25 : vector<1000x128xf32>
    %swap3A = arith.constant 0 : index
    %swap3A_27 = arith.constant 0 : index
    %swap3A_28 = vector.load %arg5[%swap3A, %swap3A_27] : memref<1000x128xf32, #tpu.memory_space<vmem>>, vector<1000x128xf32>
    tpu.vector_store %arg5[%swap3A, %swap3A_27], %max3A_26 {strides = array<i32>} : memref<1000x128xf32, #tpu.memory_space<vmem>>, vector<1000x128xf32>,
    return
  }
  func.func @transform_0(%arg0: i32) -> (i32, i32, i32) {
    %c0_i32 = arith.constant 0 : i32
    %c0_i32_0 = arith.constant 0 : i32
    %c0_i32_1 = arith.constant 0 : i32
    return %c0_i32, %arg0, %c0_i32_0 : i32, i32, i32
  }
  func.func @transform_1(%arg0: i32) -> (i32, i32) {
    %c0_i32 = arith.constant 0 : i32
    %c0_i32_0 = arith.constant 0 : i32
    return %arg0, %c0_i32 : i32, i32
  }
  func.func @transform_2(%arg0: i32) -> (i32, i32) {
    %c0_i32 = arith.constant 0 : i32
    %c0_i32_0 = arith.constant 0 : i32
    return %arg0, %c0_i32 : i32, i32
  }
  func.func @transform_3(%arg0: i32) -> (i32, i32) {
    %c0_i32 = arith.constant 0 : i32
    %c0_i32_0 = arith.constant 0 : i32
    %c0_i32_1 = arith.constant 0 : i32
    return %c0_i32, %c0_i32_0 : i32, i32
  }
  func.func @transform_4(%arg0: i32) -> (i32, i32) {
    %c0_i32 = arith.constant 0 : i32
    %c0_i32_0 = arith.constant 0 : i32
    return %arg0, %c0_i32 : i32, i32
  }
}

</mosaic_0001>

<sc_bundles>
// kernel: kernel.6.cloned.1.call-start
scs
__scs_entry_jumppad:
0x0: {  	(pc) =	sbr.rel $0x88, $3  }
0x1: {  	(tag) =	ssettag $0x0;
	lr =	simm.s32 $0x1  }
0x2: {  	[smem:$0x3F9D] =	sst lr;
	_ =	strace $0xD0000000  }
0x3: {  	_ = 	snop  }
0x4: {  	_ = 	snop  }
0x5: {  	_ = 	snop  }
0x6: {  	_ = 	snop  }
0x7: {  	_ = 	snop  }
__scs_overlays_trampoline_lowered:
0x8: {  	[smem:$0x3FAC] =	sst s0  }
0x9: {  	[smem:$0x3FAD] =	sst s1  }
0xa: {  	[smem:$0x3FAE] =	sst s2  }
0xb: {  	[smem:$0x3FAF] =	sst s3  }
0xc: {  	[smem:$0x3FB0] =	sst s4  }
0xd: {  	[smem:$0x3FB1] =	sst s5  }
0xe: {  	[smem:$0x3FB2] =	sst s6  }
0xf: {  	[smem:$0x3FB3] =	sst s7  }
0x10: {  	[smem:$0x3FB4] =	sst s8  }
0x11: {  	[smem:$0x3FB5] =	sst s9;
	s0 =	simm.s32 @!p0 $0x0  }
0x12: {  	s1 =	sld [smem:$0x3F9B];
	s0 =	simm.s32 @p0 $0x1  }
0x13: {  	[smem:$0x3FB6] =	sst s0;
	s0 =	simm.s32 @!p1 $0x0  }
0x14: {  	s2 =	sld [smem:$0x3F9A];
	s0 =	simm.s32 @p1 $0x1  }
0x15: {  	[smem:$0x3FB7] =	sst s0;
	s0 =	simm.s32 @!p2 $0x0  }
0x16: {  	s3 =	sld [smem:$0x3FDB];
	s0 =	simm.s32 @p2 $0x1  }
0x17: {  	s4 =	simm.s32 $0x1BF5;
	[smem:$0x3FB9] =	sst s0  }
0x18: {  	s0 =	sld [smem:$0x3F9C];
	_ =	swait.ge [sflag:s4], $0x0  }
0x19: {  	s7 =	sld [smem:$0x3F9D]  }
0x1a: {  	s8 =	sadd.s32 $0xFFFFE003, lr  }
0x1b: {  	s9 =	sadd.s32 $0xFFFFFEF7, lr;
	s5 =	simm.s32 $0xFFFFFFFF;
	p2 =	slt.u32 s8, $0xFFFFF086  }
0x1c: {  	p1 =	slt.u32 s9, $0xF7A;
	s5 =	simm.s32 @!p2 $0x0  }
0x1d: {  	s5 =	simm.s32 @p1 $0x1;
	p0 =	seq.s32 s7, s2  }
0x1e: {  	s7 =	smul.u32 @!p0 $0xF7A, s2;
	p2 =	seq.s32 @!p0 s5, $0x0  }
0x1f: {  	s9 =	smul.u32 $0xF7A, s1;
	s8 =	simm.s32 @!p0 $0x1BF5;
	p2 =	por !p2, p0  }
0x20: {  	[sflag:s8] =	ssyncset.s32 @!p0 $0xFFFFF086;
	s6 =	sadd.s32 @!p0 s3, s7;
	s7 =	simm.s32 @!p0 $0x108  }
0x21: {  	s3 =	sadd.s32 s3, s9;
	s6 =	sadd.s32 @!p0 $0x88, s6;
	s7 =	simm.s32 @p2 $0x1082  }
0x22: {  	[simem:s7], [sflag:s8] =	dma.local @!p0 [hbm:s6], $0xF7A  }
0x23: {  	s9 =	sor.u32 $0xD0000000, s2;
	s6 =	simm.s32 $0x108;
	_ =	swait.ge @!p0 [sflag:s8], $0x0  }
0x24: {  	s3 =	sadd.s32 $0x88, s3;
	s6 =	simm.s32 @!p1 $0x1082;
	[sflag:s4] =	ssyncset.s32 $0xFFFFF086  }
0x25: {  	[simem:s6], [sflag:s4] =	dma.local [hbm:s3], $0xF7A  }
0x26: {  	[smem:$0x3F9D] =	sst s1;
	(tag) =	ssettag s2;
	_ =	strace s9  }
0x27: {  	s1 =	sld [smem:$0x3FAD]  }
0x28: {  	s2 =	sld [smem:$0x3FAE]  }
0x29: {  	s4 =	sld [smem:$0x3FB0]  }
0x2a: {  	p0 =	seq.s32 s5, $0x0;
	s5 =	sld [smem:$0x3FB1]  }
0x2b: {  	s6 =	sld [smem:$0x3FB2]  }
0x2c: {  	s7 =	sld [smem:$0x3FB3]  }
0x2d: {  	s3 =	simm.s32 $0x108;
	s8 =	sld [smem:$0x3FB4]  }
0x2e: {  	s3 =	simm.s32 @!p0 $0x1082;
	s9 =	sld [smem:$0x3FB5]  }
0x2f: {  	lr =	sadd.s32 s0, s3;
	s0 =	sld [smem:$0x3FAC]  }
0x30: {  	s3 =	sld [smem:$0x3FAF]  }
0x31: {  	[smem:$0x3FB8] =	sst s10  }
0x32: {  	s10 =	sld [smem:$0x3FB6];
	_ =	sdelay $0x3  }
0x33: {  	p0 =	seq.s32 s10, $0x1;
	s10 =	sld [smem:$0x3FB8];
	_ =	sdelay $0x3  }
0x34: {  	[smem:$0x3FB8] =	sst s10  }
0x35: {  	s10 =	sld [smem:$0x3FB7];
	_ =	sdelay $0x3  }
0x36: {  	p1 =	seq.s32 s10, $0x1;
	s10 =	sld [smem:$0x3FB8];
	_ =	sdelay $0x3  }
0x37: {  	[smem:$0x3FB8] =	sst s10  }
0x38: {  	s10 =	sld [smem:$0x3FB9]  }
0x39: {  	_ = 	snop;
	(pc) =	sbr.ind lr, $3  }
0x3a: {  	_ = 	snop  }
0x3b: {  	_ = 	snop  }
0x3c: {  	p2 =	seq.s32 s10, $0x1;
	s10 =	sld [smem:$0x3FB8]  }
0x3d: {  	_ =	shalt  }
0x3e: {  	_ =	shalt  }
0x3f: {  	_ =	shalt  }
0x40: {  	_ =	shalt  }
0x41: {  	_ =	shalt  }
0x42: {  	_ =	shalt  }
0x43: {  	_ =	shalt  }
0x44: {  	_ =	shalt  }
0x45: {  	_ =	shalt  }
0x46: {  	_ =	shalt  }
0x47: {  	_ =	shalt  }
0x48: {  	_ =	shalt  }
0x49: {  	_ =	shalt  }
0x4a: {  	_ =	shalt  }
0x4b: {  	_ =	shalt  }
0x4c: {  	_ =	shalt  }
0x4d: {  	_ =	shalt  }
0x4e: {  	_ =	shalt  }
0x4f: {  	_ =	shalt  }
0x50: {  	_ =	shalt  }
0x51: {  	_ =	shalt  }
0x52: {  	_ =	shalt  }
0x53: {  	_ =	shalt  }
0x54: {  	_ =	shalt  }
0x55: {  	_ =	shalt  }
0x56: {  	_ =	shalt  }
0x57: {  	_ =	shalt  }
0x58: {  	_ =	shalt  }
0x59: {  	_ =	shalt  }
0x5a: {  	_ =	shalt  }
0x5b: {  	_ =	shalt  }
0x5c: {  	_ =	shalt  }
0x5d: {  	_ =	shalt  }
0x5e: {  	_ =	shalt  }
0x5f: {  	_ =	shalt  }
0x60: {  	_ =	shalt  }
0x61: {  	_ =	shalt  }
0x62: {  	_ =	shalt  }
0x63: {  	_ =	shalt  }
0x64: {  	_ =	shalt  }
0x65: {  	_ =	shalt  }
0x66: {  	_ =	shalt  }
0x67: {  	_ =	shalt  }
0x68: {  	_ =	shalt  }
0x69: {  	_ =	shalt  }
0x6a: {  	_ =	shalt  }
0x6b: {  	_ =	shalt  }
0x6c: {  	_ =	shalt  }
0x6d: {  	_ =	shalt  }
0x6e: {  	_ =	shalt  }
0x6f: {  	_ =	shalt  }
0x70: {  	_ =	shalt  }
0x71: {  	_ =	shalt  }
0x72: {  	_ =	shalt  }
0x73: {  	_ =	shalt  }
0x74: {  	_ =	shalt  }
0x75: {  	_ =	shalt  }
0x76: {  	_ =	shalt  }
0x77: {  	_ =	shalt  }
0x78: {  	_ =	shalt  }
0x79: {  	_ =	shalt  }
0x7a: {  	_ =	shalt  }
0x7b: {  	_ =	shalt  }
0x7c: {  	_ =	shalt  }
0x7d: {  	_ =	shalt  }
0x7e: {  	_ =	shalt  }
0x7f: {  	_ =	shalt  }
0x80: {  	_ =	shalt  }
0x81: {  	_ =	shalt  }
0x82: {  	_ =	shalt  }
0x83: {  	_ =	shalt  }
0x84: {  	_ =	shalt  }
0x85: {  	_ =	shalt  }
0x86: {  	_ =	shalt  }
0x87: {  	_ =	shalt  }
.Lfunc_end0:
.L_simem_size_0:
called_computation_lowered:
.L_overlay_start_0:
0x88: {  	s2 =	sld [smem:$0x3FD9]  }
0x89: {  	s3 =	sld [smem:$0x3FFE];
	_ =	sdelay $0x1  }
0x8a: {  	s1 =	srdreg.scid  }
0x8b: {  	s0 =	sand.u32 $0x1, s1  }
0x8c: {  	s17 =	sshll.u32 s0, $0xA;
	s2 =	sadd.s32 s3, s2  }
0x8d: {  	s2 =	sadd.s32 s2, s17  }
0x8e: {  	[smem:$0x3FC4] =	sst s2  }
0x8f: {  	_ = 	snop  }
0x90: {  	s2 =	sld [smem:$0x3FD0];
	(tm) =	ssettm $0x1  }
0x91: {  	s18 =	sld [smem:$0x3FFB];
	_ =	sdelay $0x3  }
0x92: {  	_ =	strace s18  }
0x93: {  	s3 =	sld [smem:$0x3FFC];
	_ =	sdelay $0x3  }
0x94: {  	_ =	strace s3  }
0x95: {  	s3 =	sld [smem:$0x3FFD];
	_ =	sdelay $0x3  }
0x96: {  	_ =	strace s3  }
0x97: {  	_ =	strace $0x8FFFFFFF  }
0x98: {  	s19 =	sld [smem:$0x3FDB];
	_ =	sdelay $0x1  }
0x99: {  	s4 =	simm.s32 $_scs_section_size  }
0x9a: {  	s5 =	simm.s32 $_size__tile_overlayer_lowered;
	s6 =	simm.s32 $_tile_overlayer_lowered  }
0x9b: {  	s22 =	simm.s32 $0x1BFF;
	s21 =	sshll.u32 s6, $0x1;
	s3 =	sadd.s32 s4, s19  }
0x9c: {  	s7 =	simm.s32 $0x0;
	s20 =	sshll.u32 s5, $0x1;
	s5 =	sadd.s32 s21, s3  }
0x9d: {  	[timem:s7], [sflag:s22] =	dma.local [hbm:s5], s20  }
0x9e: {  	_ =	swait.ge [sflag:s22], s20  }
0x9f: {  	s4 =	ssub.s32 $0x0, s20;
	[sflag:s22] =	ssyncset.done $0x0  }
0xa0: {  	[sflag:s22] =	ssyncadd.s32 s4;
	_ =	sdelay $0x1  }
0xa1: {  	s23 =	simm.s32 $0x1B8B  }
0xa2: {  	_ =	swait.ge [sflag:s23], $0x1  }
0xa3: {  	[sflag:s23] =	ssyncset.done $0x0  }
0xa4: {  	s25 =	simm.s32 $0x1B8E;
	s24 =	sld [smem:$0x3FFE];
	[sflag:s23] =	ssyncadd.s32 $0xFFFFFFFF  }
0xa5: {  	s26 =	simm.s32 $execute0_lowered;
	[smem:$0x3FD2] =	sst s25  }
0xa6: {  	s5 =	sshll.u32 s26, $0x1;
	_ =	strace $0x80000046;
	[dreg:$0x1] =	wrdreg $0xFFFFFFFF  }
0xa7: {  	s28 =	simm.s32 $_size_execute0_lowered;
	s3 =	sadd.s32 s3, s5;
	[dreg:$0x0] =	wrdreg $0x0  }
0xa8: {  	s5 =	sshll.u32 s28, $0x1;
	[dreg:$0x2] =	wrdreg s3  }
0xa9: {  	[dreg:$0x3] =	wrdreg s5  }
0xaa: {  	[dreg:$0x4] =	wrdreg $0xC0  }
0xab: {  	_ =	task [dreg:s7], $0x5FFFF  }
0xac: {  	[dreg:$0x1] =	wrdreg $0xFFFFFFFF  }
0xad: {  	[dreg:$0x0] =	wrdreg $0x60  }
0xae: {  	[dreg:$0x2] =	wrdreg s24  }
0xaf: {  	[dreg:$0x3] =	wrdreg s2  }
0xb0: {  	[dreg:$0x4] =	wrdreg $0x54000  }
0xb1: {  	[dreg:$0x5] =	wrdreg $0x56780  }
0xb2: {  	[dreg:$0x6] =	wrdreg $0x9  }
0xb3: {  	_ =	task.clear_ibuf [dreg:s7], $0x7FFFF;
	_ =	strace $0x90000046  }
0xb4: {  	s29 =	simm.s32 $0x9;
	_ =	strace $0x80000048  }
0xb5: {  	_ =	swait.ge [sflag:s29], $0x1  }
0xb6: {  	[sflag:s29] =	ssyncadd.s32 $0xFFFFFFFF  }
0xb7: {  	_ =	strace $0x90000048  }
0xb8: {  	_ =	sfence  }
0xb9: {  	s30 =	sld [smem:$0x0];
	_ =	sdelay $0x2  }
0xba: {  	s31 =	sshll.u32 s1, $0xD;
	s1 =	sshrl.u32 s1, $0x2  }
0xbb: {  	s3 =	sand.u32 $0x4000, s31;
	s1 =	sadd.s32 s1, s30  }
0xbc: {  	s0 =	sor.u32 s3, s0;
	s1 =	sshll.u32 s1, $0x11  }
0xbd: {  	s0 =	sor.u32 s1, s0  }
0xbe: {  	s0 =	sadd.s32 $0x8F2B, s0  }
0xbf: {  	[sflag:s0] =	ssyncadd.remote.s32 $0x1  }
0xc0: {  	_ =	sfence.sel $0xFFFF  }
0xc1: {  	[dreg:$0x0] =	wrdreg $0xFFFFFFFF;
	(pc) =	sbr.abs _section_cstart, $3  }
0xc2: {  	[dreg:$0x1] =	wrdreg $0xFFFFFFFF  }
0xc3: {  	_ =	task.clear_ibuf [dreg:s7], $0x2FFFF;
	_ =	strace $0x9FFFFFFF  }
0xc4: {  	(tm) =	ssettm $0x7FFFFFFF  }
0xc5: {  	_ =	shalt  }
tec
execute0_lowered:
.L_overlay_start_1:
0x0: {  	(tag) =	ssettag $0x1  }
0x1: {  	s0 =	rddreg [dreg:$0x0]  }
0x2: {  	s19 =	rddreg [dreg:$0x1]  }
0x3: {  	s1 =	srdreg.scid;
	s3 =	rddreg [dreg:$0x2]  }
0x4: {  	s26 =	stileid.u32;
	s4 =	rddreg [dreg:$0x3]  }
0x5: {  	s5 =	simm.s32 $0x0;
	s22 =	simm.s32 $0x1;
	s23 =	simm.s32 $0x2800  }
0x6: {  	s28 =	simm.s32 $0x5100;
	s29 =	simm.s32 $0x5080;
	s30 =	simm.s32 $0x0  }
0x7: {  	s1 =	sand.u32 $0x1, s1;
	s2 =	sshll.u32 s26, $0x1;
	[smem:$0x7FF] =	sst s5  }
0x8: {  	s6 =	sadd.s32 $0x15800, s0;
	s7 =	sadd.s32 $0x15E00, s0;
	s8 =	sadd.s32 $0x16400, s0  }
0x9: {  	s15 =	smul.u32 $0x270, s26;
	p0 =	seq.s32 s26, $0xF;
	s13 =	sadd.s32 $0x2710, s3  }
0xa: {  	s14 =	sadd.s32 $0x2710, s4;
	s16 =	sadd.s32 $0x2700, s4;
	s31 =	sadd.s32 $0xFFFFFFFF, s26  }
0xb: {  	p3 =	sne.s32 s26, $0xF;
	s26 =	simm.s32 $0x5000;
	s2 =	sor.u32 s1, s2  }
0xc: {  	_ =	strace $0x80000047;
	s9 =	ssub.s32 $0x2, s1;
	s14 =	smov.u32 @p0 s16  }
0xd: {  	p1 =	slt.u32 s31, $0xE;
	p2 =	sne.s32 s1, $0x0;
	s2 =	smul.u32 $0x500, s2  }
0xe: {  	s24 =	sshrl.u32 s9, $0x1;
	s11 =	sadd.s32 s15, s3;
	s12 =	sadd.s32 s15, s4  }
.Ltmp0:
0xf: {  	s25 =	sshrl.u32 s15, $0x3;
	s15 =	sadd.s32 $0x2700, s3;
	(pc) =	sbr.rel .LBB2_1-.Ltmp0, $4  }
0x10: {  	s17 =	sadd.s32 s6, s25;
	s18 =	sadd.s32 s8, s25;
	s19 =	sadd.s32 s19, s25  }
0x11: {  	s20 =	sadd.s32 s7, s25;
	s13 =	smov.u32 @p0 s15;
	s25 =	simm.s32 $0x80  }
0x12: {  	s2 =	sadd.s32 s2, s0;
	s0 =	ssub.s32 s9, s24;
	s24 =	simm.s32 $0x5180  }
0x13: {  	v0 =	vimm.f32 $1.000000000e+00;
	v1 =	vimm.f32 $0.0e+00;
	s9 =	sadd.s32 $0x1800, s2;
	s10 =	sadd.s32 $0xB800, s2;
	s21 =	smax.u32 s0, $0x1  }
.LBB2_6:
0x14: {  	[tilespmem:s24], [sflag:$0x1] =	stream.linear.gather [spmem:s15], $0x10, $0x38;
	[tilespmem:$0x58F0] =	vst v63  }
0x15: {  	_ =	swait.ge [sflag:s22], $0x10  }
0x16: {  	[sflag:s22] =	ssyncset.done $0x0  }
0x17: {  	s1 =	sadd.s32 $0x4E0, s1;
	[sflag:s22] =	ssyncadd.s32 $0xFFFFFFF0  }
0x18: {  	[hbm4b:s1+s5] =	stream.linear.scatter [tilespmem:s24], [sflag:$0x1], $0x10, $0x38;
	[tilespmem:$0x58F0] =	vst v63  }
0x19: {  	_ =	swait.ge [sflag:s22], $0x10  }
0x1a: {  	[sflag:s22] =	ssyncset.done $0x0  }
0x1b: {  	[sflag:s22] =	ssyncadd.s32 $0xFFFFFFF0  }
0x1c: {  	[tilespmem:s24], [sflag:$0x1] =	stream.linear.gather [spmem:s16], $0x10, $0x38;
	[tilespmem:$0x58F0] =	vst v63  }
0x1d: {  	_ =	swait.ge [sflag:s22], $0x10  }
0x1e: {  	[sflag:s22] =	ssyncset.done $0x0  }
0x1f: {  	s0 =	sadd.s32 $0x4E0, s0;
	[sflag:s22] =	ssyncadd.s32 $0xFFFFFFF0  }
0x20: {  	[hbm4b:s0+s5] =	stream.linear.scatter [tilespmem:s24], [sflag:$0x1], $0x10, $0x38;
	[tilespmem:$0x58F0] =	vst v63  }
0x21: {  	_ =	swait.ge [sflag:s22], $0x10  }
0x22: {  	[sflag:s22] =	ssyncset.done $0x0  }
0x23: {  	[sflag:s22] =	ssyncadd.s32 $0xFFFFFFF0  }
.LBB2_7:
0x24: {  	s30 =	sadd.s32 $0x1, s30  }
0x25: {  	p4 =	sne.s32 s30, s21  }
.Ltmp1:
0x26: {  	_ = 	snop;
	(pc) =	sbr.rel @!p4 .LBB2_8-.Ltmp1, $1  }
0x27: {  	_ =	sdelay $0x3  }
.LBB2_1:
0x28: {  	[tilespmem:s5], [sflag:$0x1] =	stream.linear.gather [hbm4b:s9+s5], $0x2800, $0x38;
	[tilespmem:$0x58F0] =	vst v63  }
0x29: {  	_ =	swait.ge [sflag:s22], $0x2800  }
0x2a: {  	[sflag:s22] =	ssyncset.done $0x0  }
0x2b: {  	[sflag:s22] =	ssyncadd.s32 $0xFFFFD800  }
0x2c: {  	[tilespmem:s23], [sflag:$0x1] =	stream.linear.gather [hbm4b:s10+s5], $0x2800, $0x38;
	[tilespmem:$0x58F0] =	vst v63  }
0x2d: {  	_ =	swait.ge [sflag:s22], $0x2800  }
0x2e: {  	[sflag:s22] =	ssyncset.done $0x0  }
0x2f: {  	[sflag:s22] =	ssyncadd.s32 $0xFFFFD800  }
0x30: {  	[tilespmem:$0x5100] =	vst v0  }
0x31: {  	[tilespmem:$0x5110] =	vst v0  }
0x32: {  	[tilespmem:$0x5120] =	vst v0  }
0x33: {  	[tilespmem:$0x5130] =	vst v0  }
0x34: {  	[tilespmem:$0x5140] =	vst v0  }
0x35: {  	[tilespmem:$0x5150] =	vst v0  }
0x36: {  	[tilespmem:$0x5160] =	vst v0  }
0x37: {  	[tilespmem:$0x5170] =	vst v0  }
0x38: {  	[tilespmem:$0x5180] =	vst v1  }
0x39: {  	[tilespmem:$0x5190] =	vst v1  }
0x3a: {  	[tilespmem:$0x51A0] =	vst v1  }
0x3b: {  	[tilespmem:$0x51B0] =	vst v1  }
0x3c: {  	[tilespmem:$0x51C0] =	vst v1  }
0x3d: {  	[tilespmem:$0x51D0] =	vst v1  }
0x3e: {  	[tilespmem:$0x51E0] =	vst v1  }
0x3f: {  	[tilespmem:$0x51F0] =	vst v1  }
0x40: {  	[tilespmem:$0x5200] =	vst v1  }
0x41: {  	[tilespmem:$0x5210] =	vst v1  }
0x42: {  	[tilespmem:$0x5220] =	vst v1  }
0x43: {  	[tilespmem:$0x5230] =	vst v1  }
0x44: {  	[tilespmem:$0x5240] =	vst v1  }
0x45: {  	[tilespmem:$0x5250] =	vst v1  }
0x46: {  	[tilespmem:$0x5260] =	vst v1  }
0x47: {  	[tilespmem:$0x5270] =	vst v1  }
0x48: {  	[tilespmem:$0x5280] =	vst v1  }
0x49: {  	[tilespmem:$0x5290] =	vst v1  }
0x4a: {  	[tilespmem:$0x52A0] =	vst v1  }
0x4b: {  	[tilespmem:$0x52B0] =	vst v1  }
0x4c: {  	[tilespmem:$0x52C0] =	vst v1  }
0x4d: {  	[tilespmem:$0x52D0] =	vst v1  }
0x4e: {  	[tilespmem:$0x52E0] =	vst v1  }
0x4f: {  	[tilespmem:$0x52F0] =	vst v1  }
0x50: {  	[tilespmem:$0x5300] =	vst v1  }
0x51: {  	[tilespmem:$0x5310] =	vst v1  }
0x52: {  	[tilespmem:$0x5320] =	vst v1  }
0x53: {  	[tilespmem:$0x5330] =	vst v1  }
0x54: {  	[tilespmem:$0x5340] =	vst v1  }
0x55: {  	[tilespmem:$0x5350] =	vst v1  }
0x56: {  	[tilespmem:$0x5360] =	vst v1  }
0x57: {  	[tilespmem:$0x5370] =	vst v1  }
0x58: {  	[tilespmem:$0x5380] =	vst v1  }
0x59: {  	[tilespmem:$0x5390] =	vst v1  }
0x5a: {  	[tilespmem:$0x53A0] =	vst v1  }
0x5b: {  	[tilespmem:$0x53B0] =	vst v1  }
0x5c: {  	[tilespmem:$0x53C0] =	vst v1  }
0x5d: {  	[tilespmem:$0x53D0] =	vst v1  }
0x5e: {  	[tilespmem:$0x53E0] =	vst v1  }
0x5f: {  	[spmem:s11] =	stream.linear.scatter [tilespmem:s24], [sflag:$0x1], $0x270, $0x38;
	[tilespmem:$0x58F0] =	vst v63  }
0x60: {  	_ =	swait.ge [sflag:s22], $0x270  }
0x61: {  	[sflag:s22] =	ssyncset.done $0x0  }
0x62: {  	[sflag:s22] =	ssyncadd.s32 $0xFFFFFD90  }
0x63: {  	[spmem:s12] =	stream.linear.scatter [tilespmem:s24], [sflag:$0x1], $0x270, $0x38;
	[tilespmem:$0x58F0] =	vst v63  }
0x64: {  	_ =	swait.ge [sflag:s22], $0x270  }
0x65: {  	[sflag:s22] =	ssyncset.done $0x0  }
0x66: {  	s0 =	simm.s32 @!p1 $0x5180;
	s1 =	simm.s32 @!p1 $0x1;
	[sflag:s22] =	ssyncadd.s32 $0xFFFFFD90  }
0x67: {  	[spmem:s13] =	stream.linear.scatter @!p1 [tilespmem:s0], [sflag:$0x1], $0x10, $0x38;
	[tilespmem:$0x58F0] =	vst v63  }
0x68: {  	_ =	swait.ge @!p1 [sflag:s1], $0x10  }
0x69: {  	[sflag:s1] =	ssyncset.done @!p1 $0x0  }
0x6a: {  	[sflag:s1] =	ssyncadd.s32 @!p1 $0xFFFFFFF0  }
0x6b: {  	[spmem:s14] =	stream.linear.scatter @!p1 [tilespmem:s0], [sflag:$0x1], $0x10, $0x38;
	[tilespmem:$0x58F0] =	vst v63  }
0x6c: {  	_ =	swait.ge @!p1 [sflag:s1], $0x10  }
0x6d: {  	[sflag:s1] =	ssyncset.done @!p1 $0x0  }
0x6e: {  	[sflag:s1] =	ssyncadd.s32 @!p1 $0xFFFFFFF0  }
0x6f: {  	s2 =	simm.s32 $0x0;
	[bflag:$0x0] =	sbarrier.arrive $0xFFFF  }
0x70: {  	v2 =	vld [tilespmem:s2+$0x0];
	_ =	sdelay $0x4  }
0x71: {  	[tilespmem:$0x5000] =	vst v2  }
0x72: {  	v2 =	vld [tilespmem:s2+$0x10];
	_ =	sdelay $0x4  }
0x73: {  	[tilespmem:$0x5010] =	vst v2  }
0x74: {  	v2 =	vld [tilespmem:s2+$0x20];
	_ =	sdelay $0x4  }
0x75: {  	[tilespmem:$0x5020] =	vst v2  }
0x76: {  	v2 =	vld [tilespmem:s2+$0x30];
	_ =	sdelay $0x4  }
0x77: {  	[tilespmem:$0x5030] =	vst v2  }
0x78: {  	v2 =	vld [tilespmem:s2+$0x40];
	_ =	sdelay $0x4  }
0x79: {  	[tilespmem:$0x5040] =	vst v2  }
0x7a: {  	v2 =	vld [tilespmem:s2+$0x50];
	_ =	sdelay $0x4  }
0x7b: {  	[tilespmem:$0x5050] =	vst v2  }
0x7c: {  	v2 =	vld [tilespmem:s2+$0x60];
	_ =	sdelay $0x4  }
0x7d: {  	[tilespmem:$0x5060] =	vst v2  }
0x7e: {  	v2 =	vld [tilespmem:s2+$0x70];
	_ =	sdelay $0x4  }
0x7f: {  	[tilespmem:$0x5070] =	vst v2  }
0x80: {  	v2 =	vld [tilespmem:s2+$0x2800];
	_ =	sdelay $0x4  }
0x81: {  	[tilespmem:$0x5080] =	vst v2  }
0x82: {  	v2 =	vld [tilespmem:s2+$0x2810];
	_ =	sdelay $0x4  }
0x83: {  	[tilespmem:$0x5090] =	vst v2  }
0x84: {  	v2 =	vld [tilespmem:s2+$0x2820];
	_ =	sdelay $0x4  }
0x85: {  	[tilespmem:$0x50A0] =	vst v2  }
0x86: {  	v2 =	vld [tilespmem:s2+$0x2830];
	_ =	sdelay $0x4  }
0x87: {  	[tilespmem:$0x50B0] =	vst v2  }
0x88: {  	v2 =	vld [tilespmem:s2+$0x2840];
	_ =	sdelay $0x4  }
0x89: {  	[tilespmem:$0x50C0] =	vst v2  }
0x8a: {  	v2 =	vld [tilespmem:s2+$0x2850];
	_ =	sdelay $0x4  }
0x8b: {  	[tilespmem:$0x50D0] =	vst v2  }
0x8c: {  	v2 =	vld [tilespmem:s2+$0x2860];
	_ =	sdelay $0x4  }
0x8d: {  	[tilespmem:$0x50E0] =	vst v2  }
0x8e: {  	v2 =	vld [tilespmem:s2+$0x2870];
	_ =	sdelay $0x4  }
0x8f: {  	[tilespmem:$0x50F0] =	vst v2  }
0x90: {  	[spmem:s3] =	stream.indirect.scatter.add.f32 [tilespmem:s28], [sflag:$0x1], $0x1, s26, s25, $0xb8;
	[tilespmem:$0x58F0] =	vst v63  }
0x91: {  	_ =	swait.ge [sflag:s22], $0x80  }
0x92: {  	[sflag:s22] =	ssyncset.done $0x0  }
0x93: {  	[sflag:s22] =	ssyncadd.s32 $0xFFFFFF80  }
0x94: {  	[spmem:s4] =	stream.indirect.scatter.add.f32 [tilespmem:s28], [sflag:$0x1], $0x1, s29, s25, $0xb8;
	[tilespmem:$0x58F0] =	vst v63  }
0x95: {  	_ =	swait.ge [sflag:s22], $0x80  }
0x96: {  	s31 =	simm.s32 $0x200;
	s2 =	simm.s32 $0x400;
	[sflag:s22] =	ssyncset.done $0x0  }
.LBB2_2:
0x97: {  	s0 =	sshra.s32 s31, $0x2  }
0x98: {  	[sflag:s22] =	ssyncadd.s32 $0xFFFFFF80;
	s31 =	smov.u32 s2;
	s1 =	sadd.s32 $0x200, s2  }
0x99: {  	p4 =	sne.s32 s2, $0x9E00;
	v2 =	vld [tilespmem:s0+$0x0];
	_ =	sdelay $0x4  }
0x9a: {  	[tilespmem:$0x5000] =	vst v2  }
0x9b: {  	v2 =	vld [tilespmem:s0+$0x10];
	_ =	sdelay $0x4  }
0x9c: {  	[tilespmem:$0x5010] =	vst v2  }
0x9d: {  	v2 =	vld [tilespmem:s0+$0x20];
	_ =	sdelay $0x4  }
0x9e: {  	[tilespmem:$0x5020] =	vst v2  }
0x9f: {  	v2 =	vld [tilespmem:s0+$0x30];
	_ =	sdelay $0x4  }
0xa0: {  	[tilespmem:$0x5030] =	vst v2  }
0xa1: {  	v2 =	vld [tilespmem:s0+$0x40];
	_ =	sdelay $0x4  }
0xa2: {  	[tilespmem:$0x5040] =	vst v2  }
0xa3: {  	v2 =	vld [tilespmem:s0+$0x50];
	_ =	sdelay $0x4  }
0xa4: {  	[tilespmem:$0x5050] =	vst v2  }
0xa5: {  	v2 =	vld [tilespmem:s0+$0x60];
	_ =	sdelay $0x4  }
0xa6: {  	[tilespmem:$0x5060] =	vst v2  }
0xa7: {  	v2 =	vld [tilespmem:s0+$0x70];
	_ =	sdelay $0x4  }
0xa8: {  	[tilespmem:$0x5070] =	vst v2  }
0xa9: {  	v2 =	vld [tilespmem:s0+$0x2800];
	_ =	sdelay $0x4  }
0xaa: {  	[tilespmem:$0x5080] =	vst v2  }
0xab: {  	v2 =	vld [tilespmem:s0+$0x2810];
	_ =	sdelay $0x4  }
0xac: {  	[tilespmem:$0x5090] =	vst v2  }
0xad: {  	v2 =	vld [tilespmem:s0+$0x2820];
	_ =	sdelay $0x4  }
0xae: {  	[tilespmem:$0x50A0] =	vst v2  }
0xaf: {  	v2 =	vld [tilespmem:s0+$0x2830];
	_ =	sdelay $0x4  }
0xb0: {  	[tilespmem:$0x50B0] =	vst v2  }
0xb1: {  	v2 =	vld [tilespmem:s0+$0x2840];
	_ =	sdelay $0x4  }
0xb2: {  	[tilespmem:$0x50C0] =	vst v2  }
0xb3: {  	v2 =	vld [tilespmem:s0+$0x2850];
	_ =	sdelay $0x4  }
0xb4: {  	[tilespmem:$0x50D0] =	vst v2  }
0xb5: {  	v2 =	vld [tilespmem:s0+$0x2860];
	_ =	sdelay $0x4  }
0xb6: {  	[tilespmem:$0x50E0] =	vst v2  }
0xb7: {  	v2 =	vld [tilespmem:s0+$0x2870];
	_ =	sdelay $0x4  }
0xb8: {  	[tilespmem:$0x50F0] =	vst v2  }
0xb9: {  	[spmem:s3] =	stream.indirect.scatter.add.f32 [tilespmem:s28], [sflag:$0x1], $0x1, s26, s25, $0xb8;
	[tilespmem:$0x58F0] =	vst v63  }
0xba: {  	_ =	swait.ge [sflag:s22], $0x80  }
.Ltmp2:
0xbb: {  	[sflag:s22] =	ssyncset.done $0x0;
	(pc) =	sbr.rel @p4 .LBB2_2-.Ltmp2, $4  }
0xbc: {  	[sflag:s22] =	ssyncadd.s32 $0xFFFFFF80  }
0xbd: {  	[spmem:s4] =	stream.indirect.scatter.add.f32 [tilespmem:s28], [sflag:$0x1], $0x1, s29, s25, $0xb8;
	[tilespmem:$0x58F0] =	vst v63  }
0xbe: {  	_ =	swait.ge [sflag:s22], $0x80  }
0xbf: {  	s2 =	smov.u32 s1;
	[sflag:s22] =	ssyncset.done $0x0  }
0xc0: {  	s0 =	sshra.s32 s31, $0x2;
	[sflag:s22] =	ssyncadd.s32 $0xFFFFFF80  }
0xc1: {  	v2 =	vld [tilespmem:s0+$0x0];
	_ =	sdelay $0x4  }
0xc2: {  	[tilespmem:$0x5000] =	vst v2  }
0xc3: {  	v2 =	vld [tilespmem:s0+$0x10];
	_ =	sdelay $0x4  }
0xc4: {  	[tilespmem:$0x5010] =	vst v2  }
0xc5: {  	v2 =	vld [tilespmem:s0+$0x20];
	_ =	sdelay $0x4  }
0xc6: {  	[tilespmem:$0x5020] =	vst v2  }
0xc7: {  	v2 =	vld [tilespmem:s0+$0x30];
	_ =	sdelay $0x4  }
0xc8: {  	[tilespmem:$0x5030] =	vst v2  }
0xc9: {  	v2 =	vld [tilespmem:s0+$0x40];
	_ =	sdelay $0x4  }
0xca: {  	[tilespmem:$0x5040] =	vst v2  }
0xcb: {  	v2 =	vld [tilespmem:s0+$0x50];
	_ =	sdelay $0x4  }
0xcc: {  	[tilespmem:$0x5050] =	vst v2  }
0xcd: {  	v2 =	vld [tilespmem:s0+$0x60];
	_ =	sdelay $0x4  }
0xce: {  	[tilespmem:$0x5060] =	vst v2  }
0xcf: {  	v2 =	vld [tilespmem:s0+$0x70];
	_ =	sdelay $0x4  }
0xd0: {  	[tilespmem:$0x5070] =	vst v2  }
0xd1: {  	v2 =	vld [tilespmem:s0+$0x2800];
	_ =	sdelay $0x4  }
0xd2: {  	[tilespmem:$0x5080] =	vst v2  }
0xd3: {  	v2 =	vld [tilespmem:s0+$0x2810];
	_ =	sdelay $0x4  }
0xd4: {  	[tilespmem:$0x5090] =	vst v2  }
0xd5: {  	v2 =	vld [tilespmem:s0+$0x2820];
	_ =	sdelay $0x4  }
0xd6: {  	[tilespmem:$0x50A0] =	vst v2  }
0xd7: {  	v2 =	vld [tilespmem:s0+$0x2830];
	_ =	sdelay $0x4  }
0xd8: {  	[tilespmem:$0x50B0] =	vst v2  }
0xd9: {  	v2 =	vld [tilespmem:s0+$0x2840];
	_ =	sdelay $0x4  }
0xda: {  	[tilespmem:$0x50C0] =	vst v2  }
0xdb: {  	v2 =	vld [tilespmem:s0+$0x2850];
	_ =	sdelay $0x4  }
0xdc: {  	[tilespmem:$0x50D0] =	vst v2  }
0xdd: {  	v2 =	vld [tilespmem:s0+$0x2860];
	_ =	sdelay $0x4  }
0xde: {  	[tilespmem:$0x50E0] =	vst v2  }
0xdf: {  	v2 =	vld [tilespmem:s0+$0x2870];
	_ =	sdelay $0x4  }
0xe0: {  	[tilespmem:$0x50F0] =	vst v2  }
0xe1: {  	[spmem:s3] =	stream.indirect.scatter.add.f32 [tilespmem:s28], [sflag:$0x1], $0x1, s26, s25, $0xb8;
	[tilespmem:$0x58F0] =	vst v63  }
0xe2: {  	_ =	swait.ge [sflag:s22], $0x80  }
0xe3: {  	[sflag:s22] =	ssyncset.done $0x0  }
0xe4: {  	[sflag:s22] =	ssyncadd.s32 $0xFFFFFF80  }
0xe5: {  	[spmem:s4] =	stream.indirect.scatter.add.f32 [tilespmem:s28], [sflag:$0x1], $0x1, s29, s25, $0xb8;
	[tilespmem:$0x58F0] =	vst v63  }
0xe6: {  	_ =	swait.ge [sflag:s22], $0x80  }
0xe7: {  	[sflag:s22] =	ssyncset.done $0x0  }
0xe8: {  	[sflag:s22] =	ssyncadd.s32 $0xFFFFFF80  }
.Ltmp3:
0xe9: {  	[bflag:$0x0] =	sbarrier.arrive $0xFFFF;
	(pc) =	sbr.rel @p2 .LBB2_5-.Ltmp3, $4  }
0xea: {  	[tilespmem:s24], [sflag:$0x1] =	stream.linear.gather [spmem:s11], $0x270, $0x38;
	[tilespmem:$0x58F0] =	vst v63  }
0xeb: {  	_ =	swait.ge [sflag:s22], $0x270  }
0xec: {  	[sflag:s22] =	ssyncset.done $0x0  }
0xed: {  	[sflag:s22] =	ssyncadd.s32 $0xFFFFFD90  }
0xee: {  	[hbm4b:s19+s5] =	stream.linear.scatter [tilespmem:s24], [sflag:$0x1], $0x270, $0x38;
	[tilespmem:$0x58F0] =	vst v63  }
0xef: {  	_ =	swait.ge [sflag:s22], $0x270  }
0xf0: {  	[sflag:s22] =	ssyncset.done $0x0  }
0xf1: {  	[sflag:s22] =	ssyncadd.s32 $0xFFFFFD90  }
0xf2: {  	[tilespmem:s24], [sflag:$0x1] =	stream.linear.gather [spmem:s12], $0x270, $0x38;
	[tilespmem:$0x58F0] =	vst v63  }
0xf3: {  	_ =	swait.ge [sflag:s22], $0x270  }
0xf4: {  	[sflag:s22] =	ssyncset.done $0x0  }
0xf5: {  	[sflag:s22] =	ssyncadd.s32 $0xFFFFFD90  }
0xf6: {  	[hbm4b:s20+s5] =	stream.linear.scatter [tilespmem:s24], [sflag:$0x1], $0x270, $0x38;
	[tilespmem:$0x58F0] =	vst v63  }
.Ltmp4:
0xf7: {  	_ = 	snop;
	(pc) =	sbr.rel @p0 .LBB2_6-.Ltmp4, $4  }
.Ltmp5:
0xf8: {  	_ =	swait.ge [sflag:s22], $0x270;
	(pc) =	sbr.rel @!p0 .LBB2_7-.Ltmp5, $4  }
0xf9: {  	[sflag:s22] =	ssyncset.done $0x0  }
0xfa: {  	[sflag:s22] =	ssyncadd.s32 $0xFFFFFD90  }
0xfb: {  	s0 =	smov.u32 s7;
	s1 =	rddreg [dreg:$0x1]  }
0xfc: {  	_ = 	snop  }
.LBB2_5:
0xfd: {  	[hbm4b:s17+s5] =	stream.linear.scatter [tilespmem:s24], [sflag:$0x1], $0x270, $0x38;
	[tilespmem:$0x58F0] =	vst v63  }
0xfe: {  	_ =	swait.ge [sflag:s22], $0x270  }
0xff: {  	[sflag:s22] =	ssyncset.done $0x0  }
0x100: {  	[sflag:s22] =	ssyncadd.s32 $0xFFFFFD90  }
0x101: {  	[tilespmem:s24], [sflag:$0x1] =	stream.linear.gather [spmem:s12], $0x270, $0x38;
	[tilespmem:$0x58F0] =	vst v63  }
0x102: {  	_ =	swait.ge [sflag:s22], $0x270  }
0x103: {  	[sflag:s22] =	ssyncset.done $0x0  }
0x104: {  	[sflag:s22] =	ssyncadd.s32 $0xFFFFFD90  }
0x105: {  	[hbm4b:s18+s5] =	stream.linear.scatter [tilespmem:s24], [sflag:$0x1], $0x270, $0x38;
	[tilespmem:$0x58F0] =	vst v63  }
.Ltmp6:
0x106: {  	_ = 	snop;
	(pc) =	sbr.rel @p3 .LBB2_7-.Ltmp6, $4  }
.Ltmp7:
0x107: {  	_ = 	snop;
	(pc) =	sbr.rel @!p3 .LBB2_6-.Ltmp7, $4  }
0x108: {  	_ =	swait.ge [sflag:s22], $0x270  }
0x109: {  	[sflag:s22] =	ssyncset.done $0x0  }
0x10a: {  	s1 =	smov.u32 s6;
	s0 =	smov.u32 s8;
	[sflag:s22] =	ssyncadd.s32 $0xFFFFFD90  }
0x10b: {  	_ = 	snop  }
.LBB2_8:
0x10c: {  	_ =	sfence.sel $0x180000  }
0x10d: {  	[bflag:$0x0] =	sbarrier.arrive $0xFFFF  }
0x10e: {  	_ =	strace $0x90000047  }
0x10f: {  	s0 =	stileid.u32;
	[bflag:$0x2] =	sbarrier.arrive $0xFFFF  }
0x110: {  	p0 =	sne.s32 s0, $0x0;
	s0 =	rddreg [dreg:$0x4]  }
0x111: {  	s0 =	sadd.s32 @!p0 $0x100000, s0  }
0x112: {  	[sflag:s0] =	ssyncadd.tile.s32 @!p0 $0x1;
	_ =	shalt  }
.Lfunc_end2:
_tile_overlayer_lowered:
.L_overlay_start_2:
0x113: {  	(tag) =	ssettag $0x2  }
0x114: {  	s0 =	rddreg [dreg:$0x0];
	s2 =	stileid.u32  }
0x115: {  	s1 =	rddreg [dreg:$0x1];
	p0 =	sne.s32 s2, $0x0  }
0x116: {  	s3 =	rddreg [dreg:$0x2];
	[bflag:$0x3] =	sbarrier.arrive $0xFFFF;
	s2 =	simm.s32 @!p0 $0x1C01  }
0x117: {  	[timem:s3], [sflag:s2] =	dma.local @!p0 [hbm:s0], s1  }
0x118: {  	s0 =	simm.s32 @!p0 $0x1  }
0x119: {  	_ =	swait.ge @!p0 [sflag:s0], s1  }
0x11a: {  	s1 =	ssub.s32 @!p0 $0x0, s1;
	[sflag:s0] =	ssyncset.done @!p0 $0x0  }
0x11b: {  	[sflag:s0] =	ssyncadd.s32 @!p0 s1  }
0x11c: {  	[bflag:$0x3] =	sbarrier.arrive $0xFFFF  }
0x11d: {  	_ =	shalt  }

// kernel: kernel.9.cloned.1.call-start
scs
__scs_entry_jumppad:
0x0: {  	(pc) =	sbr.rel $0x88, $3  }
0x1: {  	(tag) =	ssettag $0x0;
	lr =	simm.s32 $0x1  }
0x2: {  	[smem:$0x3F9D] =	sst lr;
	_ =	strace $0xD0000000  }
0x3: {  	_ = 	snop  }
0x4: {  	_ = 	snop  }
0x5: {  	_ = 	snop  }
0x6: {  	_ = 	snop  }
0x7: {  	_ = 	snop  }
__scs_overlays_trampoline_lowered:
0x8: {  	[smem:$0x3FAC] =	sst s0  }
0x9: {  	[smem:$0x3FAD] =	sst s1  }
0xa: {  	[smem:$0x3FAE] =	sst s2  }
0xb: {  	[smem:$0x3FAF] =	sst s3  }
0xc: {  	[smem:$0x3FB0] =	sst s4  }
0xd: {  	[smem:$0x3FB1] =	sst s5  }
0xe: {  	[smem:$0x3FB2] =	sst s6  }
0xf: {  	[smem:$0x3FB3] =	sst s7  }
0x10: {  	[smem:$0x3FB4] =	sst s8  }
0x11: {  	[smem:$0x3FB5] =	sst s9;
	s0 =	simm.s32 @!p0 $0x0  }
0x12: {  	s1 =	sld [smem:$0x3F9B];
	s0 =	simm.s32 @p0 $0x1  }
0x13: {  	[smem:$0x3FB6] =	sst s0;
	s0 =	simm.s32 @!p1 $0x0  }
0x14: {  	s2 =	sld [smem:$0x3F9A];
	s0 =	simm.s32 @p1 $0x1  }
0x15: {  	[smem:$0x3FB7] =	sst s0;
	s0 =	simm.s32 @!p2 $0x0  }
0x16: {  	s3 =	sld [smem:$0x3FDB];
	s0 =	simm.s32 @p2 $0x1  }
0x17: {  	s4 =	simm.s32 $0x1BF5;
	[smem:$0x3FB9] =	sst s0  }
0x18: {  	s0 =	sld [smem:$0x3F9C];
	_ =	swait.ge [sflag:s4], $0x0  }
0x19: {  	s7 =	sld [smem:$0x3F9D]  }
0x1a: {  	s8 =	sadd.s32 $0xFFFFE003, lr  }
0x1b: {  	s9 =	sadd.s32 $0xFFFFFEF7, lr;
	s5 =	simm.s32 $0xFFFFFFFF;
	p2 =	slt.u32 s8, $0xFFFFF086  }
0x1c: {  	p1 =	slt.u32 s9, $0xF7A;
	s5 =	simm.s32 @!p2 $0x0  }
0x1d: {  	s5 =	simm.s32 @p1 $0x1;
	p0 =	seq.s32 s7, s2  }
0x1e: {  	s7 =	smul.u32 @!p0 $0xF7A, s2;
	p2 =	seq.s32 @!p0 s5, $0x0  }
0x1f: {  	s9 =	smul.u32 $0xF7A, s1;
	s8 =	simm.s32 @!p0 $0x1BF5;
	p2 =	por !p2, p0  }
0x20: {  	[sflag:s8] =	ssyncset.s32 @!p0 $0xFFFFF086;
	s6 =	sadd.s32 @!p0 s3, s7;
	s7 =	simm.s32 @!p0 $0x108  }
0x21: {  	s3 =	sadd.s32 s3, s9;
	s6 =	sadd.s32 @!p0 $0x88, s6;
	s7 =	simm.s32 @p2 $0x1082  }
0x22: {  	[simem:s7], [sflag:s8] =	dma.local @!p0 [hbm:s6], $0xF7A  }
0x23: {  	s9 =	sor.u32 $0xD0000000, s2;
	s6 =	simm.s32 $0x108;
	_ =	swait.ge @!p0 [sflag:s8], $0x0  }
0x24: {  	s3 =	sadd.s32 $0x88, s3;
	s6 =	simm.s32 @!p1 $0x1082;
	[sflag:s4] =	ssyncset.s32 $0xFFFFF086  }
0x25: {  	[simem:s6], [sflag:s4] =	dma.local [hbm:s3], $0xF7A  }
0x26: {  	[smem:$0x3F9D] =	sst s1;
	(tag) =	ssettag s2;
	_ =	strace s9  }
0x27: {  	s1 =	sld [smem:$0x3FAD]  }
0x28: {  	s2 =	sld [smem:$0x3FAE]  }
0x29: {  	s4 =	sld [smem:$0x3FB0]  }
0x2a: {  	p0 =	seq.s32 s5, $0x0;
	s5 =	sld [smem:$0x3FB1]  }
0x2b: {  	s6 =	sld [smem:$0x3FB2]  }
0x2c: {  	s7 =	sld [smem:$0x3FB3]  }
0x2d: {  	s3 =	simm.s32 $0x108;
	s8 =	sld [smem:$0x3FB4]  }
0x2e: {  	s3 =	simm.s32 @!p0 $0x1082;
	s9 =	sld [smem:$0x3FB5]  }
0x2f: {  	lr =	sadd.s32 s0, s3;
	s0 =	sld [smem:$0x3FAC]  }
0x30: {  	s3 =	sld [smem:$0x3FAF]  }
0x31: {  	[smem:$0x3FB8] =	sst s10  }
0x32: {  	s10 =	sld [smem:$0x3FB6];
	_ =	sdelay $0x3  }
0x33: {  	p0 =	seq.s32 s10, $0x1;
	s10 =	sld [smem:$0x3FB8];
	_ =	sdelay $0x3  }
0x34: {  	[smem:$0x3FB8] =	sst s10  }
0x35: {  	s10 =	sld [smem:$0x3FB7];
	_ =	sdelay $0x3  }
0x36: {  	p1 =	seq.s32 s10, $0x1;
	s10 =	sld [smem:$0x3FB8];
	_ =	sdelay $0x3  }
0x37: {  	[smem:$0x3FB8] =	sst s10  }
0x38: {  	s10 =	sld [smem:$0x3FB9]  }
0x39: {  	_ = 	snop;
	(pc) =	sbr.ind lr, $3  }
0x3a: {  	_ = 	snop  }
0x3b: {  	_ = 	snop  }
0x3c: {  	p2 =	seq.s32 s10, $0x1;
	s10 =	sld [smem:$0x3FB8]  }
0x3d: {  	_ =	shalt  }
0x3e: {  	_ =	shalt  }
0x3f: {  	_ =	shalt  }
0x40: {  	_ =	shalt  }
0x41: {  	_ =	shalt  }
0x42: {  	_ =	shalt  }
0x43: {  	_ =	shalt  }
0x44: {  	_ =	shalt  }
0x45: {  	_ =	shalt  }
0x46: {  	_ =	shalt  }
0x47: {  	_ =	shalt  }
0x48: {  	_ =	shalt  }
0x49: {  	_ =	shalt  }
0x4a: {  	_ =	shalt  }
0x4b: {  	_ =	shalt  }
0x4c: {  	_ =	shalt  }
0x4d: {  	_ =	shalt  }
0x4e: {  	_ =	shalt  }
0x4f: {  	_ =	shalt  }
0x50: {  	_ =	shalt  }
0x51: {  	_ =	shalt  }
0x52: {  	_ =	shalt  }
0x53: {  	_ =	shalt  }
0x54: {  	_ =	shalt  }
0x55: {  	_ =	shalt  }
0x56: {  	_ =	shalt  }
0x57: {  	_ =	shalt  }
0x58: {  	_ =	shalt  }
0x59: {  	_ =	shalt  }
0x5a: {  	_ =	shalt  }
0x5b: {  	_ =	shalt  }
0x5c: {  	_ =	shalt  }
0x5d: {  	_ =	shalt  }
0x5e: {  	_ =	shalt  }
0x5f: {  	_ =	shalt  }
0x60: {  	_ =	shalt  }
0x61: {  	_ =	shalt  }
0x62: {  	_ =	shalt  }
0x63: {  	_ =	shalt  }
0x64: {  	_ =	shalt  }
0x65: {  	_ =	shalt  }
0x66: {  	_ =	shalt  }
0x67: {  	_ =	shalt  }
0x68: {  	_ =	shalt  }
0x69: {  	_ =	shalt  }
0x6a: {  	_ =	shalt  }
0x6b: {  	_ =	shalt  }
0x6c: {  	_ =	shalt  }
0x6d: {  	_ =	shalt  }
0x6e: {  	_ =	shalt  }
0x6f: {  	_ =	shalt  }
0x70: {  	_ =	shalt  }
0x71: {  	_ =	shalt  }
0x72: {  	_ =	shalt  }
0x73: {  	_ =	shalt  }
0x74: {  	_ =	shalt  }
0x75: {  	_ =	shalt  }
0x76: {  	_ =	shalt  }
0x77: {  	_ =	shalt  }
0x78: {  	_ =	shalt  }
0x79: {  	_ =	shalt  }
0x7a: {  	_ =	shalt  }
0x7b: {  	_ =	shalt  }
0x7c: {  	_ =	shalt  }
0x7d: {  	_ =	shalt  }
0x7e: {  	_ =	shalt  }
0x7f: {  	_ =	shalt  }
0x80: {  	_ =	shalt  }
0x81: {  	_ =	shalt  }
0x82: {  	_ =	shalt  }
0x83: {  	_ =	shalt  }
0x84: {  	_ =	shalt  }
0x85: {  	_ =	shalt  }
0x86: {  	_ =	shalt  }
0x87: {  	_ =	shalt  }
.Lfunc_end0:
.L_simem_size_0:
called_computation.1_lowered:
.L_overlay_start_0:
0x88: {  	s2 =	sld [smem:$0x3FD9]  }
0x89: {  	s3 =	sld [smem:$0x3FFE];
	_ =	sdelay $0x1  }
0x8a: {  	s1 =	srdreg.scid  }
0x8b: {  	s0 =	sand.u32 $0x1, s1  }
0x8c: {  	s17 =	sshll.u32 s0, $0xA;
	s2 =	sadd.s32 s3, s2  }
0x8d: {  	s2 =	sadd.s32 s2, s17  }
0x8e: {  	[smem:$0x3FC4] =	sst s2  }
0x8f: {  	_ = 	snop  }
0x90: {  	s2 =	sld [smem:$0x3FD0];
	(tm) =	ssettm $0x1  }
0x91: {  	s18 =	sld [smem:$0x3FFB];
	_ =	sdelay $0x3  }
0x92: {  	_ =	strace s18  }
0x93: {  	s3 =	sld [smem:$0x3FFC];
	_ =	sdelay $0x3  }
0x94: {  	_ =	strace s3  }
0x95: {  	s3 =	sld [smem:$0x3FFD];
	_ =	sdelay $0x3  }
0x96: {  	_ =	strace s3  }
0x97: {  	_ =	strace $0x8FFFFFFF  }
0x98: {  	s19 =	sld [smem:$0x3FDB];
	_ =	sdelay $0x1  }
0x99: {  	s4 =	simm.s32 $_scs_section_size  }
0x9a: {  	s5 =	simm.s32 $_size__tile_overlayer_lowered;
	s6 =	simm.s32 $_tile_overlayer_lowered  }
0x9b: {  	s22 =	simm.s32 $0x1BFF;
	s21 =	sshll.u32 s6, $0x1;
	s3 =	sadd.s32 s4, s19  }
0x9c: {  	s7 =	simm.s32 $0x0;
	s20 =	sshll.u32 s5, $0x1;
	s5 =	sadd.s32 s21, s3  }
0x9d: {  	[timem:s7], [sflag:s22] =	dma.local [hbm:s5], s20  }
0x9e: {  	_ =	swait.ge [sflag:s22], s20  }
0x9f: {  	s4 =	ssub.s32 $0x0, s20;
	[sflag:s22] =	ssyncset.done $0x0  }
0xa0: {  	[sflag:s22] =	ssyncadd.s32 s4;
	_ =	sdelay $0x1  }
0xa1: {  	s23 =	simm.s32 $0x1B8B  }
0xa2: {  	_ =	swait.ge [sflag:s23], $0x1  }
0xa3: {  	[sflag:s23] =	ssyncset.done $0x0  }
0xa4: {  	s25 =	simm.s32 $0x1B8E;
	s24 =	sld [smem:$0x3FFE];
	[sflag:s23] =	ssyncadd.s32 $0xFFFFFFFF  }
0xa5: {  	s26 =	simm.s32 $execute0_lowered;
	[smem:$0x3FD2] =	sst s25  }
0xa6: {  	s5 =	sshll.u32 s26, $0x1;
	_ =	strace $0x80000049;
	[dreg:$0x1] =	wrdreg $0xFFFFFFFF  }
0xa7: {  	s28 =	simm.s32 $_size_execute0_lowered;
	s3 =	sadd.s32 s3, s5;
	[dreg:$0x0] =	wrdreg $0x0  }
0xa8: {  	s5 =	sshll.u32 s28, $0x1;
	[dreg:$0x2] =	wrdreg s3  }
0xa9: {  	[dreg:$0x3] =	wrdreg s5  }
0xaa: {  	[dreg:$0x4] =	wrdreg $0xC0  }
0xab: {  	_ =	task [dreg:s7], $0x5FFFF  }
0xac: {  	[dreg:$0x1] =	wrdreg $0xFFFFFFFF  }
0xad: {  	[dreg:$0x0] =	wrdreg $0x60  }
0xae: {  	[dreg:$0x2] =	wrdreg s24  }
0xaf: {  	[dreg:$0x3] =	wrdreg s2  }
0xb0: {  	[dreg:$0x4] =	wrdreg $0xA1000  }
0xb1: {  	[dreg:$0x5] =	wrdreg $0x9  }
0xb2: {  	_ =	task.clear_ibuf [dreg:s7], $0x6FFFF;
	_ =	strace $0x90000049  }
0xb3: {  	s29 =	simm.s32 $0x9;
	_ =	strace $0x8000004B  }
0xb4: {  	_ =	swait.ge [sflag:s29], $0x1  }
0xb5: {  	[sflag:s29] =	ssyncadd.s32 $0xFFFFFFFF  }
0xb6: {  	_ =	strace $0x9000004B  }
0xb7: {  	_ =	sfence  }
0xb8: {  	s30 =	sld [smem:$0x0];
	_ =	sdelay $0x2  }
0xb9: {  	s31 =	sshll.u32 s1, $0xD;
	s1 =	sshrl.u32 s1, $0x2  }
0xba: {  	s3 =	sand.u32 $0x4000, s31;
	s1 =	sadd.s32 s1, s30  }
0xbb: {  	s0 =	sor.u32 s3, s0;
	s1 =	sshll.u32 s1, $0x11  }
0xbc: {  	s0 =	sor.u32 s1, s0  }
0xbd: {  	s0 =	sadd.s32 $0x8F2B, s0  }
0xbe: {  	[sflag:s0] =	ssyncadd.remote.s32 $0x1  }
0xbf: {  	_ =	sfence.sel $0xFFFF  }
0xc0: {  	[dreg:$0x0] =	wrdreg $0xFFFFFFFF;
	(pc) =	sbr.abs _section_cstart, $3  }
0xc1: {  	[dreg:$0x1] =	wrdreg $0xFFFFFFFF  }
0xc2: {  	_ =	task.clear_ibuf [dreg:s7], $0x2FFFF;
	_ =	strace $0x9FFFFFFF  }
0xc3: {  	(tm) =	ssettm $0x7FFFFFFF  }
tec
execute0_lowered:
.L_overlay_start_1:
0x0: {  	(tag) =	ssettag $0x1  }
0x1: {  	s5 =	rddreg [dreg:$0x0];
	s1 =	srdreg.scid  }
0x2: {  	s0 =	stileid.u32;
	s8 =	rddreg [dreg:$0x1]  }
0x3: {  	s2 =	rddreg [dreg:$0x2];
	s3 =	simm.s32 $0x0;
	s17 =	simm.s32 $0x50  }
0x4: {  	s18 =	simm.s32 $0x5100;
	s19 =	simm.s32 $0x7900;
	s20 =	simm.s32 $0x1  }
0x5: {  	s21 =	simm.s32 $0x5000;
	s22 =	simm.s32 $0x2;
	s6 =	sand.u32 $0x1, s1  }
0x6: {  	s23 =	sshll.u32 s0, $0x1;
	[smem:$0x7FF] =	sst s3;
	s10 =	smul.u32 $0x4E000, s0  }
0x7: {  	s11 =	sadd.s32 $0x3DC00, s5;
	s12 =	smul.u32 $0x13800, s0;
	s16 =	sadd.s32 $0x138000, s2  }
0x8: {  	p0 =	sne.s32 s0, $0xF;
	s14 =	sshll.u32 s0, $0x6;
	s4 =	sor.u32 s6, s23  }
0x9: {  	_ =	strace $0x8000004A;
	s9 =	ssub.s32 $0x2, s6;
	s25 =	smul.u32 $0x138800, s6  }
0xa: {  	s14 =	sor.u32 $0x1C03, s14;
	s16 =	sshrl.u32 @!p0 s16, $0x3;
	s23 =	simm.s32 $0x5080  }
0xb: {  	s4 =	smul.u32 $0x500, s4;
	s24 =	sshrl.u32 s9, $0x1;
	s26 =	sshrl.u32 s10, $0x2  }
0xc: {  	s28 =	sshrl.u32 s12, $0x3;
	s13 =	ssub.s32 s9, s24;
	s15 =	sadd.s32 s26, s2  }
0xd: {  	s29 =	sadd.s32 s12, s25;
	s30 =	sshrl.u32 s25, $0x3;
	s12 =	simm.s32 $0x3  }
0xe: {  	s24 =	simm.s32 $0x27B0;
	s25 =	simm.s32 $0x0;
	s7 =	sadd.s32 s4, s5  }
0xf: {  	s4 =	sadd.s32 $0x16A00, s5;
	s10 =	sshrl.u32 s29, $0x3;
	s31 =	sadd.s32 s11, s30  }
0x10: {  	s15 =	sshrl.u32 s15, $0x3;
	s5 =	sadd.s32 $0x1800, s7;
	s6 =	sadd.s32 $0xB800, s7  }
0x11: {  	s7 =	sadd.s32 s8, s28;
	s8 =	sadd.s32 $0x27000, s8;
	s9 =	sadd.s32 s11, s10  }
0x12: {  	s10 =	sadd.s32 $0x27000, s31;
	s11 =	smax.u32 s13, $0x1;
	s13 =	simm.s32 $0x2800  }
.LBB2_1:
0x13: {  	[tilespmem:s3], [sflag:$0x3] =	stream.linear.gather [hbm4b:s5+s3], $0x2800, $0x38;
	[tilespmem:$0x1D980] =	vst v63  }
0x14: {  	_ =	swait.ge [sflag:s12], $0x2800  }
0x15: {  	[sflag:s12] =	ssyncset.done $0x0  }
0x16: {  	[sflag:s12] =	ssyncadd.s32 $0xFFFFD800  }
0x17: {  	[tilespmem:s13], [sflag:$0x3] =	stream.linear.gather [hbm4b:s6+s3], $0x2800, $0x38;
	[tilespmem:$0x1D980] =	vst v63  }
0x18: {  	_ =	swait.ge [sflag:s12], $0x2800  }
0x19: {  	[sflag:s12] =	ssyncset.done $0x0  }
0x1a: {  	[sflag:s12] =	ssyncadd.s32 $0xFFFFD800  }
0x1b: {  	[spmem:s15], [sflag:s14] =	dma.local [hbm:s7], $0x2700  }
0x1c: {  	_ =	swait.ge [sflag:s12], $0x2700  }
0x1d: {  	[sflag:s12] =	ssyncset.done $0x0  }
0x1e: {  	s26 =	simm.s32 @!p0 $0x3;
	[sflag:s12] =	ssyncadd.s32 $0xFFFFD900  }
0x1f: {  	[spmem:s16], [sflag:s14] =	dma.local @!p0 [hbm:s8], $0x100  }
0x20: {  	_ =	swait.ge @!p0 [sflag:s26], $0x100  }
0x21: {  	[sflag:s26] =	ssyncset.done @!p0 $0x0  }
0x22: {  	[sflag:s26] =	ssyncadd.s32 @!p0 $0xFFFFFF00  }
0x23: {  	[bflag:$0x0] =	sbarrier.arrive $0xFFFF  }
0x24: {  	[tilespmem:s18], [sflag:$0x1] =	stream.indirect.gather [hbm4b:s4+s17], $0x80, s3, s17, $0xb8;
	[tilespmem:$0x1D980] =	vst v63  }
0x25: {  	s28 =	simm.s32 $0x50;
	s26 =	simm.s32 $0x2850  }
0x26: {  	[tilespmem:s19], [sflag:$0x2] =	stream.indirect.gather [hbm4b:s4+s17], $0x80, s28, s17, $0xb8;
	[tilespmem:$0x1D980] =	vst v63  }
0x27: {  	v0 =	vld [tilespmem:s26+$0xFFFFFFB0];
	_ =	sdelay $0x4  }
0x28: {  	vm0 =	vlt.s32 v0, $0x270F  }
0x29: {  	v0 =	vnsel vm0, $0x270F, v0  }
0x2a: {  	[tilespmem:$0x5000] =	vst v0  }
0x2b: {  	v0 =	vld [tilespmem:s26+$0xFFFFFFC0];
	_ =	sdelay $0x4  }
0x2c: {  	vm7 =	vlt.s32 v0, $0x270F  }
0x2d: {  	v0 =	vnsel vm7, $0x270F, v0  }
0x2e: {  	[tilespmem:$0x5010] =	vst v0  }
0x2f: {  	v0 =	vld [tilespmem:s26+$0xFFFFFFD0];
	_ =	sdelay $0x4  }
0x30: {  	vm8 =	vlt.s32 v0, $0x270F  }
0x31: {  	v0 =	vnsel vm8, $0x270F, v0  }
0x32: {  	[tilespmem:$0x5020] =	vst v0  }
0x33: {  	v0 =	vld [tilespmem:s26+$0xFFFFFFE0];
	_ =	sdelay $0x4  }
0x34: {  	vm9 =	vlt.s32 v0, $0x270F  }
0x35: {  	v0 =	vnsel vm9, $0x270F, v0  }
0x36: {  	[tilespmem:$0x5030] =	vst v0  }
0x37: {  	v0 =	vld [tilespmem:s26+$0xFFFFFFF0];
	_ =	sdelay $0x4  }
0x38: {  	vm10 =	vlt.s32 v0, $0x270F  }
0x39: {  	v0 =	vnsel vm10, $0x270F, v0  }
0x3a: {  	[tilespmem:$0x5040] =	vst v0  }
0x3b: {  	_ =	swait.ge [sflag:s20], $0x2800  }
0x3c: {  	[sflag:s20] =	ssyncset.done $0x0  }
0x3d: {  	[sflag:s20] =	ssyncadd.s32 $0xFFFFD800  }
0x3e: {  	[spmem:s2] =	stream.indirect.scatter.add.f32 [tilespmem:s18], [sflag:$0x3], $0x80, s21, s17, $0xb8;
	[tilespmem:$0x1D980] =	vst v63  }
0x3f: {  	_ =	swait.ge [sflag:s12], $0x2800  }
0x40: {  	[sflag:s12] =	ssyncset.done $0x0  }
0x41: {  	s28 =	simm.s32 $0xA0;
	[sflag:s12] =	ssyncadd.s32 $0xFFFFD800  }
0x42: {  	[tilespmem:s18], [sflag:$0x1] =	stream.indirect.gather [hbm4b:s4+s17], $0x80, s28, s17, $0xb8;
	[tilespmem:$0x1D980] =	vst v63  }
0x43: {  	v63 =	vld [tilespmem:s26+$0x0];
	_ =	sdelay $0x4  }
0x44: {  	vm11 =	vlt.s32 v63, $0x270F  }
0x45: {  	v0 =	vnsel vm11, $0x270F, v63  }
0x46: {  	[tilespmem:$0x5080] =	vst v0  }
0x47: {  	v0 =	vld [tilespmem:s26+$0x10];
	_ =	sdelay $0x4  }
0x48: {  	vm12 =	vlt.s32 v0, $0x270F  }
0x49: {  	v0 =	vnsel vm12, $0x270F, v0  }
0x4a: {  	[tilespmem:$0x5090] =	vst v0  }
0x4b: {  	v0 =	vld [tilespmem:s26+$0x20];
	_ =	sdelay $0x4  }
0x4c: {  	vm13 =	vlt.s32 v0, $0x270F  }
0x4d: {  	v0 =	vnsel vm13, $0x270F, v0  }
0x4e: {  	s28 =	sand.u32 $0x3FE0, s3;
	[tilespmem:$0x50A0] =	vst v0  }
0x4f: {  	v0 =	vld [tilespmem:s28+$0x2880];
	_ =	sdelay $0x4  }
0x50: {  	vm14 =	vlt.s32 v0, $0x270F  }
0x51: {  	v0 =	vnsel vm14, $0x270F, v0  }
0x52: {  	[tilespmem:$0x50B0] =	vst v0  }
0x53: {  	v0 =	vld [tilespmem:s26+$0x40];
	_ =	sdelay $0x4  }
0x54: {  	vm15 =	vlt.s32 v0, $0x270F  }
0x55: {  	v0 =	vnsel vm15, $0x270F, v0  }
0x56: {  	[tilespmem:$0x50C0] =	vst v0  }
0x57: {  	_ =	swait.ge [sflag:s22], $0x2800  }
0x58: {  	[sflag:s22] =	ssyncset.done $0x0  }
0x59: {  	[sflag:s22] =	ssyncadd.s32 $0xFFFFD800  }
0x5a: {  	[spmem:s2] =	stream.indirect.scatter.add.f32 [tilespmem:s19], [sflag:$0x3], $0x80, s23, s17, $0xb8;
	[tilespmem:$0x1D980] =	vst v63  }
0x5b: {  	s30 =	simm.s32 $0x140;
	_ =	swait.ge [sflag:s12], $0x2800  }
0x5c: {  	s29 =	simm.s32 $0x140;
	s28 =	simm.s32 $0xA0;
	[sflag:s12] =	ssyncset.done $0x0  }
.LBB2_2:
0x5d: {  	s31 =	sadd.s32 $0xFFFFFFB0, s29;
	[sflag:s12] =	ssyncadd.s32 $0xFFFFD800;
	s26 =	sadd.s32 $0xA0, s26  }
0x5e: {  	[tilespmem:s19], [sflag:$0x2] =	stream.indirect.gather [hbm4b:s4+s17], $0x80, s31, s17, $0xb8;
	[tilespmem:$0x1D980] =	vst v63  }
0x5f: {  	p1 =	sne.s32 s30, $0x26C0;
	s31 =	smov.u32 s30;
	s30 =	sadd.s32 $0xA0, s30;
	v0 =	vld [tilespmem:s26+$0xFFFFFFB0]  }
0x60: {  	_ =	sdelay $0x3  }
0x61: {  	vm0 =	vlt.s32 v0, $0x270F  }
0x62: {  	v0 =	vnsel vm0, $0x270F, v0  }
0x63: {  	[tilespmem:$0x5000] =	vst v0  }
0x64: {  	v0 =	vld [tilespmem:s26+$0xFFFFFFC0];
	_ =	sdelay $0x4  }
0x65: {  	vm0 =	vlt.s32 v0, $0x270F  }
0x66: {  	v0 =	vnsel vm0, $0x270F, v0  }
0x67: {  	[tilespmem:$0x5010] =	vst v0  }
0x68: {  	v0 =	vld [tilespmem:s26+$0xFFFFFFD0];
	_ =	sdelay $0x4  }
0x69: {  	vm0 =	vlt.s32 v0, $0x270F  }
0x6a: {  	v0 =	vnsel vm0, $0x270F, v0  }
0x6b: {  	[tilespmem:$0x5020] =	vst v0  }
0x6c: {  	v0 =	vld [tilespmem:s26+$0xFFFFFFE0];
	_ =	sdelay $0x4  }
0x6d: {  	vm0 =	vlt.s32 v0, $0x270F  }
0x6e: {  	v0 =	vnsel vm0, $0x270F, v0  }
0x6f: {  	[tilespmem:$0x5030] =	vst v0  }
0x70: {  	v0 =	vld [tilespmem:s26+$0xFFFFFFF0];
	_ =	sdelay $0x4  }
0x71: {  	vm0 =	vlt.s32 v0, $0x270F  }
0x72: {  	v0 =	vnsel vm0, $0x270F, v0  }
0x73: {  	[tilespmem:$0x5040] =	vst v0  }
0x74: {  	_ =	swait.ge [sflag:s20], $0x2800  }
0x75: {  	[sflag:s20] =	ssyncset.done $0x0  }
0x76: {  	[sflag:s20] =	ssyncadd.s32 $0xFFFFD800  }
0x77: {  	[spmem:s2] =	stream.indirect.scatter.add.f32 [tilespmem:s18], [sflag:$0x3], $0x80, s21, s17, $0xb8;
	[tilespmem:$0x1D980] =	vst v63  }
0x78: {  	_ =	swait.ge [sflag:s12], $0x2800  }
0x79: {  	[sflag:s12] =	ssyncset.done $0x0  }
0x7a: {  	[sflag:s12] =	ssyncadd.s32 $0xFFFFD800  }
0x7b: {  	[tilespmem:s18], [sflag:$0x1] =	stream.indirect.gather [hbm4b:s4+s17], $0x80, s29, s17, $0xb8;
	[tilespmem:$0x1D980] =	vst v63  }
0x7c: {  	v0 =	vld [tilespmem:s26+$0x0];
	_ =	sdelay $0x4  }
0x7d: {  	vm0 =	vlt.s32 v0, $0x270F  }
0x7e: {  	v0 =	vnsel vm0, $0x270F, v0  }
0x7f: {  	[tilespmem:$0x5080] =	vst v0  }
0x80: {  	v0 =	vld [tilespmem:s26+$0x10];
	_ =	sdelay $0x4  }
0x81: {  	vm0 =	vlt.s32 v0, $0x270F  }
0x82: {  	v0 =	vnsel vm0, $0x270F, v0  }
0x83: {  	[tilespmem:$0x5090] =	vst v0  }
0x84: {  	v0 =	vld [tilespmem:s26+$0x20];
	_ =	sdelay $0x4  }
0x85: {  	vm0 =	vlt.s32 v0, $0x270F  }
0x86: {  	v0 =	vnsel vm0, $0x270F, v0  }
0x87: {  	s1 =	sand.u32 $0x3FE0, s28;
	s28 =	smov.u32 s31;
	[tilespmem:$0x50A0] =	vst v0  }
0x88: {  	v0 =	vld [tilespmem:s1+$0x2880];
	_ =	sdelay $0x4  }
0x89: {  	vm0 =	vlt.s32 v0, $0x270F  }
0x8a: {  	v0 =	vnsel vm0, $0x270F, v0  }
0x8b: {  	[tilespmem:$0x50B0] =	vst v0  }
0x8c: {  	v0 =	vld [tilespmem:s26+$0x40];
	_ =	sdelay $0x4  }
0x8d: {  	vm0 =	vlt.s32 v0, $0x270F  }
0x8e: {  	v0 =	vnsel vm0, $0x270F, v0  }
0x8f: {  	[tilespmem:$0x50C0] =	vst v0  }
0x90: {  	_ =	swait.ge [sflag:s22], $0x2800  }
.Ltmp0:
0x91: {  	[sflag:s22] =	ssyncset.done $0x0;
	(pc) =	sbr.rel @p1 .LBB2_2-.Ltmp0, $4  }
0x92: {  	[sflag:s22] =	ssyncadd.s32 $0xFFFFD800  }
0x93: {  	[spmem:s2] =	stream.indirect.scatter.add.f32 [tilespmem:s19], [sflag:$0x3], $0x80, s23, s17, $0xb8;
	[tilespmem:$0x1D980] =	vst v63  }
0x94: {  	_ =	swait.ge [sflag:s12], $0x2800  }
0x95: {  	s29 =	sadd.s32 $0xA0, s29;
	[sflag:s12] =	ssyncset.done $0x0  }
0x96: {  	s1 =	sadd.s32 $0xFFFFFFB0, s29;
	[sflag:s12] =	ssyncadd.s32 $0xFFFFD800;
	s26 =	sadd.s32 $0xA0, s26  }
0x97: {  	[tilespmem:s19], [sflag:$0x2] =	stream.indirect.gather [hbm4b:s4+s17], $0x80, s1, s17, $0xb8;
	[tilespmem:$0x1D980] =	vst v63  }
0x98: {  	v0 =	vld [tilespmem:s26+$0xFFFFFFB0];
	_ =	sdelay $0x4  }
0x99: {  	vm0 =	vlt.s32 v0, $0x270F  }
0x9a: {  	v0 =	vnsel vm0, $0x270F, v0  }
0x9b: {  	[tilespmem:$0x5000] =	vst v0  }
0x9c: {  	v0 =	vld [tilespmem:s26+$0xFFFFFFC0];
	_ =	sdelay $0x4  }
0x9d: {  	vm9 =	vlt.s32 v0, $0x270F  }
0x9e: {  	v0 =	vnsel vm9, $0x270F, v0  }
0x9f: {  	[tilespmem:$0x5010] =	vst v0  }
0xa0: {  	v0 =	vld [tilespmem:s26+$0xFFFFFFD0];
	_ =	sdelay $0x4  }
0xa1: {  	vm10 =	vlt.s32 v0, $0x270F  }
0xa2: {  	v0 =	vnsel vm10, $0x270F, v0  }
0xa3: {  	[tilespmem:$0x5020] =	vst v0  }
0xa4: {  	v0 =	vld [tilespmem:s26+$0xFFFFFFE0];
	_ =	sdelay $0x4  }
0xa5: {  	vm11 =	vlt.s32 v0, $0x270F  }
0xa6: {  	v0 =	vnsel vm11, $0x270F, v0  }
0xa7: {  	[tilespmem:$0x5030] =	vst v0  }
0xa8: {  	v0 =	vld [tilespmem:s26+$0xFFFFFFF0];
	_ =	sdelay $0x4  }
0xa9: {  	vm12 =	vlt.s32 v0, $0x270F  }
0xaa: {  	v0 =	vnsel vm12, $0x270F, v0  }
0xab: {  	[tilespmem:$0x5040] =	vst v0  }
0xac: {  	_ =	swait.ge [sflag:s20], $0x2800  }
0xad: {  	[sflag:s20] =	ssyncset.done $0x0  }
0xae: {  	[sflag:s20] =	ssyncadd.s32 $0xFFFFD800  }
0xaf: {  	[spmem:s2] =	stream.indirect.scatter.add.f32 [tilespmem:s18], [sflag:$0x3], $0x80, s21, s17, $0xb8;
	[tilespmem:$0x1D980] =	vst v63  }
0xb0: {  	_ =	swait.ge [sflag:s12], $0x2800  }
0xb1: {  	[sflag:s12] =	ssyncset.done $0x0  }
0xb2: {  	[sflag:s12] =	ssyncadd.s32 $0xFFFFD800  }
0xb3: {  	[tilespmem:s18], [sflag:$0x1] =	stream.indirect.gather [hbm4b:s4+s17], $0x80, s29, s17, $0xb8;
	[tilespmem:$0x1D980] =	vst v63  }
0xb4: {  	v49 =	vld [tilespmem:s26+$0x0];
	_ =	sdelay $0x4  }
0xb5: {  	vm13 =	vlt.s32 v49, $0x270F  }
0xb6: {  	v0 =	vnsel vm13, $0x270F, v49  }
0xb7: {  	[tilespmem:$0x5080] =	vst v0  }
0xb8: {  	v0 =	vld [tilespmem:s26+$0x10];
	_ =	sdelay $0x4  }
0xb9: {  	vm14 =	vlt.s32 v0, $0x270F  }
0xba: {  	v0 =	vnsel vm14, $0x270F, v0  }
0xbb: {  	[tilespmem:$0x5090] =	vst v0  }
0xbc: {  	v0 =	vld [tilespmem:s26+$0x20];
	_ =	sdelay $0x4  }
0xbd: {  	vm15 =	vlt.s32 v0, $0x270F  }
0xbe: {  	v0 =	vnsel vm15, $0x270F, v0  }
0xbf: {  	s31 =	sand.u32 $0x3FE0, s28;
	[tilespmem:$0x50A0] =	vst v0  }
0xc0: {  	v0 =	vld [tilespmem:s31+$0x2880];
	_ =	sdelay $0x4  }
0xc1: {  	vm4 =	vlt.s32 v0, $0x270F  }
0xc2: {  	v0 =	vnsel vm4, $0x270F, v0  }
0xc3: {  	[tilespmem:$0x50B0] =	vst v0  }
0xc4: {  	v0 =	vld [tilespmem:s26+$0x40];
	_ =	sdelay $0x4  }
0xc5: {  	vm5 =	vlt.s32 v0, $0x270F  }
0xc6: {  	v0 =	vnsel vm5, $0x270F, v0  }
0xc7: {  	[tilespmem:$0x50C0] =	vst v0  }
0xc8: {  	_ =	swait.ge [sflag:s22], $0x2800  }
0xc9: {  	[sflag:s22] =	ssyncset.done $0x0  }
0xca: {  	[sflag:s22] =	ssyncadd.s32 $0xFFFFD800  }
0xcb: {  	[spmem:s2] =	stream.indirect.scatter.add.f32 [tilespmem:s19], [sflag:$0x3], $0x80, s23, s17, $0xb8;
	[tilespmem:$0x1D980] =	vst v63  }
0xcc: {  	_ =	swait.ge [sflag:s12], $0x2800  }
0xcd: {  	[sflag:s12] =	ssyncset.done $0x0  }
0xce: {  	[sflag:s12] =	ssyncadd.s32 $0xFFFFD800  }
0xcf: {  	[tilespmem:s19], [sflag:$0x2] =	stream.indirect.gather [hbm4b:s4+s17], $0x80, s24, s17, $0xb8;
	[tilespmem:$0x1D980] =	vst v63  }
0xd0: {  	v50 =	vld [tilespmem:$0x4F60]  }
0xd1: {  	v1 =	vld [tilespmem:$0x4F70]  }
0xd2: {  	v2 =	vld [tilespmem:$0x4F80]  }
0xd3: {  	v3 =	vld [tilespmem:$0x4F90]  }
0xd4: {  	v4 =	vld [tilespmem:$0x4FA0]  }
0xd5: {  	vm6 =	vlt.s32 v50, $0x270F  }
0xd6: {  	vm7 =	vlt.s32 v1, $0x270F;
	v0 =	vnsel vm6, $0x270F, v50  }
0xd7: {  	vm8 =	vlt.s32 v2, $0x270F;
	v51 =	vnsel vm7, $0x270F, v1;
	[tilespmem:$0x5000] =	vst v0  }
0xd8: {  	vm9 =	vlt.s32 v3, $0x270F;
	v52 =	vnsel vm8, $0x270F, v2;
	[tilespmem:$0x5010] =	vst v51  }
0xd9: {  	vm10 =	vlt.s32 v4, $0x270F;
	v53 =	vnsel vm9, $0x270F, v3;
	[tilespmem:$0x5020] =	vst v52  }
0xda: {  	v54 =	vnsel vm10, $0x270F, v4;
	[tilespmem:$0x5030] =	vst v53  }
0xdb: {  	[tilespmem:$0x5040] =	vst v54  }
0xdc: {  	_ =	swait.ge [sflag:s20], $0x2800  }
0xdd: {  	[sflag:s20] =	ssyncset.done $0x0  }
0xde: {  	[sflag:s20] =	ssyncadd.s32 $0xFFFFD800  }
0xdf: {  	[spmem:s2] =	stream.indirect.scatter.add.f32 [tilespmem:s18], [sflag:$0x3], $0x80, s21, s17, $0xb8;
	[tilespmem:$0x1D980] =	vst v63  }
0xe0: {  	_ =	swait.ge [sflag:s12], $0x2800  }
0xe1: {  	[sflag:s12] =	ssyncset.done $0x0  }
0xe2: {  	[sflag:s12] =	ssyncadd.s32 $0xFFFFD800  }
0xe3: {  	v55 =	vld [tilespmem:$0x4FB0]  }
0xe4: {  	v56 =	vld [tilespmem:$0x4FC0]  }
0xe5: {  	v57 =	vld [tilespmem:$0x4FD0]  }
0xe6: {  	v58 =	vld [tilespmem:$0x4FE0]  }
0xe7: {  	v59 =	vld [tilespmem:$0x4FF0]  }
0xe8: {  	vm11 =	vlt.s32 v55, $0x270F  }
0xe9: {  	vm12 =	vlt.s32 v56, $0x270F;
	v0 =	vnsel vm11, $0x270F, v55  }
0xea: {  	vm13 =	vlt.s32 v57, $0x270F;
	v60 =	vnsel vm12, $0x270F, v56;
	[tilespmem:$0x5080] =	vst v0  }
0xeb: {  	vm14 =	vlt.s32 v58, $0x270F;
	v61 =	vnsel vm13, $0x270F, v57;
	[tilespmem:$0x5090] =	vst v60  }
0xec: {  	vm15 =	vlt.s32 v59, $0x270F;
	v62 =	vnsel vm14, $0x270F, v58;
	[tilespmem:$0x50A0] =	vst v61  }
0xed: {  	v63 =	vnsel vm15, $0x270F, v59;
	[tilespmem:$0x50B0] =	vst v62  }
0xee: {  	[tilespmem:$0x50C0] =	vst v63  }
0xef: {  	_ =	swait.ge [sflag:s22], $0x2800  }
0xf0: {  	[sflag:s22] =	ssyncset.done $0x0  }
0xf1: {  	[sflag:s22] =	ssyncadd.s32 $0xFFFFD800  }
0xf2: {  	[spmem:s2] =	stream.indirect.scatter.add.f32 [tilespmem:s19], [sflag:$0x3], $0x80, s23, s17, $0xb8;
	[tilespmem:$0x1D980] =	vst v63  }
0xf3: {  	_ =	swait.ge [sflag:s12], $0x2800  }
0xf4: {  	[sflag:s12] =	ssyncset.done $0x0  }
0xf5: {  	[sflag:s12] =	ssyncadd.s32 $0xFFFFD800  }
0xf6: {  	[bflag:$0x0] =	sbarrier.arrive $0xFFFF  }
0xf7: {  	[hbm:s9], [sflag:s14] =	dma.local [spmem:s15], $0x2700  }
0xf8: {  	s25 =	sadd.s32 $0x1, s25;
	_ =	swait.ge [sflag:s12], $0x2700  }
0xf9: {  	p1 =	sne.s32 s25, s11;
	[sflag:s12] =	ssyncset.done $0x0  }
.Ltmp1:
0xfa: {  	s1 =	simm.s32 @!p0 $0x3;
	[sflag:s12] =	ssyncadd.s32 $0xFFFFD900;
	(pc) =	sbr.rel @p1 .LBB2_1-.Ltmp1, $4  }
0xfb: {  	[hbm:s10], [sflag:s14] =	dma.local @!p0 [spmem:s16], $0x100  }
0xfc: {  	_ =	swait.ge @!p0 [sflag:s1], $0x100  }
0xfd: {  	[sflag:s1] =	ssyncset.done @!p0 $0x0  }
0xfe: {  	[sflag:s1] =	ssyncadd.s32 @!p0 $0xFFFFFF00  }
0xff: {  	_ =	sfence.sel $0x180000  }
0x100: {  	[bflag:$0x0] =	sbarrier.arrive $0xFFFF  }
0x101: {  	_ =	strace $0x9000004A  }
0x102: {  	[bflag:$0x2] =	sbarrier.arrive $0xFFFF  }
0x103: {  	p0 =	sne.s32 s0, $0x0;
	s0 =	rddreg [dreg:$0x3]  }
0x104: {  	s0 =	sadd.s32 @!p0 $0x100000, s0  }
0x105: {  	[sflag:s0] =	ssyncadd.tile.s32 @!p0 $0x1;
	_ =	shalt  }
.Lfunc_end2:
_tile_overlayer_lowered:
.L_overlay_start_2:
0x106: {  	(tag) =	ssettag $0x2  }
0x107: {  	s0 =	rddreg [dreg:$0x0];
	s2 =	stileid.u32  }
0x108: {  	s1 =	rddreg [dreg:$0x1];
	p0 =	sne.s32 s2, $0x0  }
0x109: {  	s3 =	rddreg [dreg:$0x2];
	[bflag:$0x3] =	sbarrier.arrive $0xFFFF;
	s2 =	simm.s32 @!p0 $0x1C03  }
0x10a: {  	[timem:s3], [sflag:s2] =	dma.local @!p0 [hbm:s0], s1  }
0x10b: {  	s0 =	simm.s32 @!p0 $0x3  }
0x10c: {  	_ =	swait.ge @!p0 [sflag:s0], s1  }
0x10d: {  	s1 =	ssub.s32 @!p0 $0x0, s1;
	[sflag:s0] =	ssyncset.done @!p0 $0x0  }
0x10e: {  	[sflag:s0] =	ssyncadd.s32 @!p0 s1  }
0x10f: {  	[bflag:$0x3] =	sbarrier.arrive $0xFFFF  }
0x110: {  	_ =	shalt  }

</sc_bundles>
